<compile_context>
chip_gen: v7x
topology: tpu7x:2x2x1
jax: 0.10.2.dev20260603
libtpu: 0.0.44.dev20260713+nightly
codegen_flags: <defaults>
</compile_context>

<pallas_src>
import functools

import jax
import jax.numpy as jnp
from jax import lax
from jax.experimental import pallas as pl
from jax.experimental.pallas import tpu as pltpu
from jax.experimental.pallas import tpu_sc as plsc

_SIGMA = 0.5
_LANES = 16
_NWORKERS = 32
_RSPLIT = 512
_BI = 512
_BJ = 512


def _sc_body(npad, gpw, rows_h, outh,
             x1v, y1v, x2v, y2v, sv, av, resv, sem):
    copies = [pltpu.make_async_copy(rows_h.at[0], x1v, sem),
              pltpu.make_async_copy(rows_h.at[1], y1v, sem),
              pltpu.make_async_copy(rows_h.at[2], x2v, sem),
              pltpu.make_async_copy(rows_h.at[3], y2v, sem),
              pltpu.make_async_copy(rows_h.at[4], sv, sem)]
    for c in copies:
        c.start()
    for c in copies:
        c.wait()

    def area_body(t, carry):
        sl = pl.ds(t * _LANES, _LANES)
        av[sl] = (x2v[sl] - x1v[sl]) * (y2v[sl] - y1v[sl])
        return carry

    lax.fori_loop(0, npad // _LANES, area_body, 0)

    wid = lax.axis_index("s") * 2 + lax.axis_index("c")

    def group_body(gi, carry):
        g = wid * gpw + gi
        base = g * _LANES
        sl = pl.ds(base, _LANES)
        xi1 = x1v[sl]
        yi1 = y1v[sl]
        xi2 = x2v[sl]
        yi2 = y2v[sl]
        si = sv[sl]
        ai = av[sl]

        def j_body(jb, accs):
            accs = list(accs)
            jsl = pl.ds(jb * _LANES, _LANES)
            xj1 = x1v[jsl]
            yj1 = y1v[jsl]
            xj2 = x2v[jsl]
            yj2 = y2v[jsl]
            sj = sv[jsl]
            aj = av[jsl]
            for l in range(_LANES):
                xx1 = jnp.maximum(xi1, xj1[l])
                yy1 = jnp.maximum(yi1, yj1[l])
                xx2 = jnp.minimum(xi2, xj2[l])
                yy2 = jnp.minimum(yi2, yj2[l])
                w = jnp.maximum(xx2 - xx1, 0.0)
                h = jnp.maximum(yy2 - yy1, 0.0)
                inter = w * h
                union = ai + aj[l] - inter
                iou = inter / union
                k = l % 4
                accs[k] = accs[k] + jnp.where(sj[l] > si, iou * iou, 0.0)
            return tuple(accs)

        zero = jnp.zeros((_LANES,), jnp.float32)
        accs = lax.fori_loop(0, npad // _LANES, j_body,
                             (zero, zero, zero, zero))
        acc = (accs[0] + accs[1]) + (accs[2] + accs[3])
        resv[...] = si * jnp.exp(acc * (-1.0 / _SIGMA))
        pltpu.sync_copy(resv, outh.at[pl.ds(base, _LANES)])
        return carry

    lax.fori_loop(0, gpw, group_body, 0)


def _tc_body(npad, cols_ref, rows_ref, out_ref):
    cols = cols_ref[...]
    xi1 = cols[:, 0:1]
    yi1 = cols[:, 1:2]
    xi2 = cols[:, 2:3]
    yi2 = cols[:, 3:4]
    si = cols[:, 4:5]
    ai = (xi2 - xi1) * (yi2 - yi1)

    def j_body(jb, acc):
        jsl = pl.ds(jb * _BJ, _BJ)
        xj1 = rows_ref[0:1, jsl]
        yj1 = rows_ref[1:2, jsl]
        xj2 = rows_ref[2:3, jsl]
        yj2 = rows_ref[3:4, jsl]
        sj = rows_ref[4:5, jsl]
        aj = (xj2 - xj1) * (yj2 - yj1)
        xx1 = jnp.maximum(xi1, xj1)
        yy1 = jnp.maximum(yi1, yj1)
        xx2 = jnp.minimum(xi2, xj2)
        yy2 = jnp.minimum(yi2, yj2)
        w = jnp.maximum(xx2 - xx1, 0.0)
        h = jnp.maximum(yy2 - yy1, 0.0)
        inter = w * h
        union = ai + aj - inter
        iou = inter / union
        contrib = jnp.where(sj > si, iou * iou, 0.0)
        return acc + jnp.sum(contrib, axis=1, keepdims=True)

    acc = lax.fori_loop(0, npad // _BJ, j_body,
                        jnp.zeros((_BI, 1), jnp.float32), unroll=10)
    out_ref[...] = si * jnp.exp(acc * (-1.0 / _SIGMA))


@jax.jit
def kernel(boxes, scores):
    n = boxes.shape[0]
    chunk = _LANES * _NWORKERS
    npad = ((n + chunk - 1) // chunk) * chunk

    s = jnp.full((npad,), -1.0, jnp.float32).at[:n].set(scores)
    cols = jnp.zeros((npad, 8), jnp.float32).at[:n, 0:4].set(boxes)
    cols = cols.at[:, 4].set(s)
    rows = cols.T

    gpw = _RSPLIT // (_LANES * _NWORKERS)
    mesh = plsc.VectorSubcoreMesh(core_axis_name="c", subcore_axis_name="s")
    sc_out = pl.kernel(
        functools.partial(_sc_body, npad, gpw),
        out_type=jax.ShapeDtypeStruct((_RSPLIT,), jnp.float32),
        mesh=mesh,
        scratch_types=[pltpu.VMEM((npad,), jnp.float32)] * 6
        + [pltpu.VMEM((_LANES,), jnp.float32), pltpu.SemaphoreType.DMA],
    )(rows)

    ntc = npad - _RSPLIT
    tc_out = pl.pallas_call(
        functools.partial(_tc_body, npad),
        grid=(ntc // _BI,),
        in_specs=[
            pl.BlockSpec((_BI, 8), lambda i: (i + _RSPLIT // _BI, 0)),
            pl.BlockSpec((8, npad), lambda i: (0, 0)),
        ],
        out_specs=pl.BlockSpec((_BI, 1), lambda i: (i, 0)),
        out_shape=jax.ShapeDtypeStruct((ntc, 1), jnp.float32),
    )(cols, rows)

    return jnp.concatenate([sc_out, tc_out[:, 0]])[:n]

# --- scband reference (transcript-rebuilt; emitter-appended) ---
"""Pipeline reference for scband-network-9474697855713 (READ-ONLY COPY).

The authoritative reference and input builder live on the scoring server;
editing this copy changes nothing except your own understanding.
"""

import jax, jax.numpy as jnp
import numpy as np

N = 5000
SIGMA = 0.5

def setup_inputs(seed: int = 0) -> dict:
    key = jax.random.key(seed)
    k1, k2, k3 = jax.random.split(key, 3)
    xy = jax.random.uniform(k1, (N, 2), dtype=jnp.float32) * 1000.0
    wh = jax.random.uniform(k2, (N, 2), dtype=jnp.float32) * 100.0 + 1.0
    boxes = jnp.concatenate([xy, xy + wh], axis=1)
    scores = jax.random.uniform(k3, (N,), dtype=jnp.float32)
    return {"boxes": boxes, "scores": scores}

def _pairwise_iou(boxes):
    x1, y1, x2, y2 = boxes[:, 0], boxes[:, 1], boxes[:, 2], boxes[:, 3]
    areas = (x2 - x1) * (y2 - y1)
    xx1 = jnp.maximum(x1[:, None], x1[None, :])
    yy1 = jnp.maximum(y1[:, None], y1[None, :])
    xx2 = jnp.minimum(x2[:, None], x2[None, :])
    yy2 = jnp.minimum(y2[:, None], y2[None, :])
    inter = jnp.clip(xx2 - xx1, 0.0) * jnp.clip(yy2 - yy1, 0.0)
    union = areas[:, None] + areas[None, :] - inter
    return inter / jnp.maximum(union, 1e-8)

def reference(boxes, scores):
    # Soft-NMS (Gaussian decay): each box's score is decayed by every
    # higher-scored overlapping box. Differentiable analogue of the greedy
    # NMS used in the proposal layer of this Faster R-CNN network.
    iou = _pairwise_iou(boxes)
    higher = (scores[None, :] > scores[:, None]).astype(boxes.dtype)
    decay_terms = jnp.exp(-(iou ** 2) / SIGMA) * higher + (1.0 - higher)
    decay = jnp.prod(decay_terms, axis=1)
    new_scores = scores * decay
    return new_scores

if __name__ == "__main__":
    import jax
    _d = setup_inputs()
    print(jax.jit(kernel)(*tuple(_d.values())))

</pallas_src>

<mosaic_0001>
#map = affine_map<(d0, d1) -> (0, 0)>
#map1 = affine_map<(d0, d1) -> (0)>
module attributes {stable_mosaic.version = 14 : i64} {
  func.func @_sc_body(%arg0: i32, %arg1: i32, %arg2: memref<8x5120xf32, #tpu.memory_space<hbm>>, %arg3: memref<512xf32, #tpu.memory_space<hbm>>, %arg4: memref<5120xf32, #tpu.memory_space<vmem>>, %arg5: memref<5120xf32, #tpu.memory_space<vmem>>, %arg6: memref<5120xf32, #tpu.memory_space<vmem>>, %arg7: memref<5120xf32, #tpu.memory_space<vmem>>, %arg8: memref<5120xf32, #tpu.memory_space<vmem>>, %arg9: memref<5120xf32, #tpu.memory_space<vmem>>, %arg10: memref<16xf32, #tpu.memory_space<vmem>>, %arg11: memref<!tpu.dma_semaphore, #tpu.memory_space<semaphore_mem>>) attributes {dimension_semantics = [#tpu.dimension_semantics<core_parallel>, #tpu.dimension_semantics<subcore_parallel>], iteration_bounds = array<i64: 2, 16>, scalar_prefetch = 0 : i64, scratch_operands = 8 : i64, tpu.core_type = #tpu.core_type<sc_vector_subcore>, window_params = [{transform_indices = #map}, {transform_indices = #map1}]} {
    %dma_start3A = arith.constant 0 : i32
    %dma_start3A_0 = arith.constant 0 : i32
    %dma_start3A_1 = tpu.memref_slice %arg2[%dma_start3A, %dma_start3A_0] : memref<8x5120xf32, #tpu.memory_space<hbm>> -> memref<1x5120xf32, #tpu.memory_space<hbm>>
    %dma_start3A_2 = tpu.memref_squeeze %dma_start3A_1 : memref<1x5120xf32, #tpu.memory_space<hbm>> -> memref<5120xf32, #tpu.memory_space<hbm>>
    %dma_start3A_3 = arith.constant 0 : i32
    %dma_start3A_4 = tpu.memref_slice %arg2[%dma_start3A, %dma_start3A_3] : memref<8x5120xf32, #tpu.memory_space<hbm>> -> memref<1x5120xf32, #tpu.memory_space<hbm>>
    %dma_start3A_5 = tpu.memref_squeeze %dma_start3A_4 : memref<1x5120xf32, #tpu.memory_space<hbm>> -> memref<5120xf32, #tpu.memory_space<hbm>>
    tpu.enqueue_dma source(%dma_start3A_5 : memref<5120xf32, #tpu.memory_space<hbm>>) target(%arg4 : memref<5120xf32, #tpu.memory_space<vmem>>) target_semaphore(%arg11 : memref<!tpu.dma_semaphore, #tpu.memory_space<semaphore_mem>>)
    %dma_start3A_6 = arith.constant 1 : i32
    %dma_start3A_7 = arith.constant 0 : i32
    %dma_start3A_8 = tpu.memref_slice %arg2[%dma_start3A_6, %dma_start3A_7] : memref<8x5120xf32, #tpu.memory_space<hbm>> -> memref<1x5120xf32, #tpu.memory_space<hbm>>
    %dma_start3A_9 = tpu.memref_squeeze %dma_start3A_8 : memref<1x5120xf32, #tpu.memory_space<hbm>> -> memref<5120xf32, #tpu.memory_space<hbm>>
    %dma_start3A_10 = arith.constant 0 : i32
    %dma_start3A_11 = tpu.memref_slice %arg2[%dma_start3A_6, %dma_start3A_10] : memref<8x5120xf32, #tpu.memory_space<hbm>> -> memref<1x5120xf32, #tpu.memory_space<hbm>>
    %dma_start3A_12 = tpu.memref_squeeze %dma_start3A_11 : memref<1x5120xf32, #tpu.memory_space<hbm>> -> memref<5120xf32, #tpu.memory_space<hbm>>
    tpu.enqueue_dma source(%dma_start3A_12 : memref<5120xf32, #tpu.memory_space<hbm>>) target(%arg5 : memref<5120xf32, #tpu.memory_space<vmem>>) target_semaphore(%arg11 : memref<!tpu.dma_semaphore, #tpu.memory_space<semaphore_mem>>)
    %dma_start3A_13 = arith.constant 2 : i32
    %dma_start3A_14 = arith.constant 0 : i32
    %dma_start3A_15 = tpu.memref_slice %arg2[%dma_start3A_13, %dma_start3A_14] : memref<8x5120xf32, #tpu.memory_space<hbm>> -> memref<1x5120xf32, #tpu.memory_space<hbm>>
    %dma_start3A_16 = tpu.memref_squeeze %dma_start3A_15 : memref<1x5120xf32, #tpu.memory_space<hbm>> -> memref<5120xf32, #tpu.memory_space<hbm>>
    %dma_start3A_17 = arith.constant 0 : i32
    %dma_start3A_18 = tpu.memref_slice %arg2[%dma_start3A_13, %dma_start3A_17] : memref<8x5120xf32, #tpu.memory_space<hbm>> -> memref<1x5120xf32, #tpu.memory_space<hbm>>
    %dma_start3A_19 = tpu.memref_squeeze %dma_start3A_18 : memref<1x5120xf32, #tpu.memory_space<hbm>> -> memref<5120xf32, #tpu.memory_space<hbm>>
    tpu.enqueue_dma source(%dma_start3A_19 : memref<5120xf32, #tpu.memory_space<hbm>>) target(%arg6 : memref<5120xf32, #tpu.memory_space<vmem>>) target_semaphore(%arg11 : memref<!tpu.dma_semaphore, #tpu.memory_space<semaphore_mem>>)
    %dma_start3A_20 = arith.constant 3 : i32
    %dma_start3A_21 = arith.constant 0 : i32
    %dma_start3A_22 = tpu.memref_slice %arg2[%dma_start3A_20, %dma_start3A_21] : memref<8x5120xf32, #tpu.memory_space<hbm>> -> memref<1x5120xf32, #tpu.memory_space<hbm>>
    %dma_start3A_23 = tpu.memref_squeeze %dma_start3A_22 : memref<1x5120xf32, #tpu.memory_space<hbm>> -> memref<5120xf32, #tpu.memory_space<hbm>>
    %dma_start3A_24 = arith.constant 0 : i32
    %dma_start3A_25 = tpu.memref_slice %arg2[%dma_start3A_20, %dma_start3A_24] : memref<8x5120xf32, #tpu.memory_space<hbm>> -> memref<1x5120xf32, #tpu.memory_space<hbm>>
    %dma_start3A_26 = tpu.memref_squeeze %dma_start3A_25 : memref<1x5120xf32, #tpu.memory_space<hbm>> -> memref<5120xf32, #tpu.memory_space<hbm>>
    tpu.enqueue_dma source(%dma_start3A_26 : memref<5120xf32, #tpu.memory_space<hbm>>) target(%arg7 : memref<5120xf32, #tpu.memory_space<vmem>>) target_semaphore(%arg11 : memref<!tpu.dma_semaphore, #tpu.memory_space<semaphore_mem>>)
    %dma_start3A_27 = arith.constant 4 : i32
    %dma_start3A_28 = arith.constant 0 : i32
    %dma_start3A_29 = tpu.memref_slice %arg2[%dma_start3A_27, %dma_start3A_28] : memref<8x5120xf32, #tpu.memory_space<hbm>> -> memref<1x5120xf32, #tpu.memory_space<hbm>>
    %dma_start3A_30 = tpu.memref_squeeze %dma_start3A_29 : memref<1x5120xf32, #tpu.memory_space<hbm>> -> memref<5120xf32, #tpu.memory_space<hbm>>
    %dma_start3A_31 = arith.constant 0 : i32
    %dma_start3A_32 = tpu.memref_slice %arg2[%dma_start3A_27, %dma_start3A_31] : memref<8x5120xf32, #tpu.memory_space<hbm>> -> memref<1x5120xf32, #tpu.memory_space<hbm>>
    %dma_start3A_33 = tpu.memref_squeeze %dma_start3A_32 : memref<1x5120xf32, #tpu.memory_space<hbm>> -> memref<5120xf32, #tpu.memory_space<hbm>>
    tpu.enqueue_dma source(%dma_start3A_33 : memref<5120xf32, #tpu.memory_space<hbm>>) target(%arg8 : memref<5120xf32, #tpu.memory_space<vmem>>) target_semaphore(%arg11 : memref<!tpu.dma_semaphore, #tpu.memory_space<semaphore_mem>>)
    %dma_wait3A = arith.constant 0 : i32
    %dma_wait3A_34 = arith.constant 0 : i32
    %dma_wait3A_35 = tpu.memref_slice %arg2[%dma_wait3A, %dma_wait3A_34] : memref<8x5120xf32, #tpu.memory_space<hbm>> -> memref<1x5120xf32, #tpu.memory_space<hbm>>
    %dma_wait3A_36 = tpu.memref_squeeze %dma_wait3A_35 : memref<1x5120xf32, #tpu.memory_space<hbm>> -> memref<5120xf32, #tpu.memory_space<hbm>>
    %dma_wait3A_37 = arith.constant 0 : i32
    %dma_wait3A_38 = tpu.memref_slice %arg2[%dma_wait3A, %dma_wait3A_37] : memref<8x5120xf32, #tpu.memory_space<hbm>> -> memref<1x5120xf32, #tpu.memory_space<hbm>>
    %dma_wait3A_39 = tpu.memref_squeeze %dma_wait3A_38 : memref<1x5120xf32, #tpu.memory_space<hbm>> -> memref<5120xf32, #tpu.memory_space<hbm>>
    tpu.wait_dma2 semaphore(%arg11 : memref<!tpu.dma_semaphore, #tpu.memory_space<semaphore_mem>>) src(%dma_wait3A_39 : memref<5120xf32, #tpu.memory_space<hbm>>) dst(%arg4 : memref<5120xf32, #tpu.memory_space<vmem>>)
    %dma_wait3A_40 = arith.constant 1 : i32
    %dma_wait3A_41 = arith.constant 0 : i32
    %dma_wait3A_42 = tpu.memref_slice %arg2[%dma_wait3A_40, %dma_wait3A_41] : memref<8x5120xf32, #tpu.memory_space<hbm>> -> memref<1x5120xf32, #tpu.memory_space<hbm>>
    %dma_wait3A_43 = tpu.memref_squeeze %dma_wait3A_42 : memref<1x5120xf32, #tpu.memory_space<hbm>> -> memref<5120xf32, #tpu.memory_space<hbm>>
    %dma_wait3A_44 = arith.constant 0 : i32
    %dma_wait3A_45 = tpu.memref_slice %arg2[%dma_wait3A_40, %dma_wait3A_44] : memref<8x5120xf32, #tpu.memory_space<hbm>> -> memref<1x5120xf32, #tpu.memory_space<hbm>>
    %dma_wait3A_46 = tpu.memref_squeeze %dma_wait3A_45 : memref<1x5120xf32, #tpu.memory_space<hbm>> -> memref<5120xf32, #tpu.memory_space<hbm>>
    tpu.wait_dma2 semaphore(%arg11 : memref<!tpu.dma_semaphore, #tpu.memory_space<semaphore_mem>>) src(%dma_wait3A_46 : memref<5120xf32, #tpu.memory_space<hbm>>) dst(%arg5 : memref<5120xf32, #tpu.memory_space<vmem>>)
    %dma_wait3A_47 = arith.constant 2 : i32
    %dma_wait3A_48 = arith.constant 0 : i32
    %dma_wait3A_49 = tpu.memref_slice %arg2[%dma_wait3A_47, %dma_wait3A_48] : memref<8x5120xf32, #tpu.memory_space<hbm>> -> memref<1x5120xf32, #tpu.memory_space<hbm>>
    %dma_wait3A_50 = tpu.memref_squeeze %dma_wait3A_49 : memref<1x5120xf32, #tpu.memory_space<hbm>> -> memref<5120xf32, #tpu.memory_space<hbm>>
    %dma_wait3A_51 = arith.constant 0 : i32
    %dma_wait3A_52 = tpu.memref_slice %arg2[%dma_wait3A_47, %dma_wait3A_51] : memref<8x5120xf32, #tpu.memory_space<hbm>> -> memref<1x5120xf32, #tpu.memory_space<hbm>>
    %dma_wait3A_53 = tpu.memref_squeeze %dma_wait3A_52 : memref<1x5120xf32, #tpu.memory_space<hbm>> -> memref<5120xf32, #tpu.memory_space<hbm>>
    tpu.wait_dma2 semaphore(%arg11 : memref<!tpu.dma_semaphore, #tpu.memory_space<semaphore_mem>>) src(%dma_wait3A_53 : memref<5120xf32, #tpu.memory_space<hbm>>) dst(%arg6 : memref<5120xf32, #tpu.memory_space<vmem>>)
    %dma_wait3A_54 = arith.constant 3 : i32
    %dma_wait3A_55 = arith.constant 0 : i32
    %dma_wait3A_56 = tpu.memref_slice %arg2[%dma_wait3A_54, %dma_wait3A_55] : memref<8x5120xf32, #tpu.memory_space<hbm>> -> memref<1x5120xf32, #tpu.memory_space<hbm>>
    %dma_wait3A_57 = tpu.memref_squeeze %dma_wait3A_56 : memref<1x5120xf32, #tpu.memory_space<hbm>> -> memref<5120xf32, #tpu.memory_space<hbm>>
    %dma_wait3A_58 = arith.constant 0 : i32
    %dma_wait3A_59 = tpu.memref_slice %arg2[%dma_wait3A_54, %dma_wait3A_58] : memref<8x5120xf32, #tpu.memory_space<hbm>> -> memref<1x5120xf32, #tpu.memory_space<hbm>>
    %dma_wait3A_60 = tpu.memref_squeeze %dma_wait3A_59 : memref<1x5120xf32, #tpu.memory_space<hbm>> -> memref<5120xf32, #tpu.memory_space<hbm>>
    tpu.wait_dma2 semaphore(%arg11 : memref<!tpu.dma_semaphore, #tpu.memory_space<semaphore_mem>>) src(%dma_wait3A_60 : memref<5120xf32, #tpu.memory_space<hbm>>) dst(%arg7 : memref<5120xf32, #tpu.memory_space<vmem>>)
    %dma_wait3A_61 = arith.constant 4 : i32
    %dma_wait3A_62 = arith.constant 0 : i32
    %dma_wait3A_63 = tpu.memref_slice %arg2[%dma_wait3A_61, %dma_wait3A_62] : memref<8x5120xf32, #tpu.memory_space<hbm>> -> memref<1x5120xf32, #tpu.memory_space<hbm>>
    %dma_wait3A_64 = tpu.memref_squeeze %dma_wait3A_63 : memref<1x5120xf32, #tpu.memory_space<hbm>> -> memref<5120xf32, #tpu.memory_space<hbm>>
    %dma_wait3A_65 = arith.constant 0 : i32
    %dma_wait3A_66 = tpu.memref_slice %arg2[%dma_wait3A_61, %dma_wait3A_65] : memref<8x5120xf32, #tpu.memory_space<hbm>> -> memref<1x5120xf32, #tpu.memory_space<hbm>>
    %dma_wait3A_67 = tpu.memref_squeeze %dma_wait3A_66 : memref<1x5120xf32, #tpu.memory_space<hbm>> -> memref<5120xf32, #tpu.memory_space<hbm>>
    tpu.wait_dma2 semaphore(%arg11 : memref<!tpu.dma_semaphore, #tpu.memory_space<semaphore_mem>>) src(%dma_wait3A_67 : memref<5120xf32, #tpu.memory_space<hbm>>) dst(%arg8 : memref<5120xf32, #tpu.memory_space<vmem>>)
    %scan3A = arith.constant 0 : i32
    %scan3A_68 = arith.constant 0 : i32
    %scan3A_69 = arith.constant 320 : i32
    %scan3A_70 = arith.addi %scan3A_68, %scan3A_69 : i32
    %scan3A_71 = arith.constant 1 : i32
    scf.for %scan3A_116 = %scan3A_68 to %scan3A_70 step %scan3A_71  : i32 {
      %mul3A_117 = arith.constant 16 : i32
      %mul3A_118 = arith.muli %scan3A_116, %mul3A_117 : i32
      %get3A_119 = arith.index_cast %mul3A_118 : i32 to index
      %get3A_120 = tpu.vector_load %arg6[%get3A_119] {strides = array<i32>} : memref<5120xf32, #tpu.memory_space<vmem>>, vector<16xf32>,
      %get3A_121 = vector.shape_cast %get3A_120 : vector<16xf32> to vector<16xf32>
      %get3A_122 = arith.index_cast %mul3A_118 : i32 to index
      %get3A_123 = tpu.vector_load %arg4[%get3A_122] {strides = array<i32>} : memref<5120xf32, #tpu.memory_space<vmem>>, vector<16xf32>,
      %get3A_124 = vector.shape_cast %get3A_123 : vector<16xf32> to vector<16xf32>
      %sub3A = arith.subf %get3A_121, %get3A_124 : vector<16xf32>
      %get3A_125 = arith.index_cast %mul3A_118 : i32 to index
      %get3A_126 = tpu.vector_load %arg7[%get3A_125] {strides = array<i32>} : memref<5120xf32, #tpu.memory_space<vmem>>, vector<16xf32>,
      %get3A_127 = vector.shape_cast %get3A_126 : vector<16xf32> to vector<16xf32>
      %get3A_128 = arith.index_cast %mul3A_118 : i32 to index
      %get3A_129 = tpu.vector_load %arg5[%get3A_128] {strides = array<i32>} : memref<5120xf32, #tpu.memory_space<vmem>>, vector<16xf32>,
      %get3A_130 = vector.shape_cast %get3A_129 : vector<16xf32> to vector<16xf32>
      %sub3A_131 = arith.subf %get3A_127, %get3A_130 : vector<16xf32>
      %mul3A_132 = arith.mulf %sub3A, %sub3A_131 : vector<16xf32>
      %swap3A_133 = arith.index_cast %mul3A_118 : i32 to index
      %swap3A_134 = tpu.vector_load %arg9[%swap3A_133] {strides = array<i32>} : memref<5120xf32, #tpu.memory_space<vmem>>, vector<16xf32>,
      %swap3A_135 = vector.shape_cast %swap3A_134 : vector<16xf32> to vector<16xf32>
      %swap3A_136 = vector.shape_cast %mul3A_132 : vector<16xf32> to vector<16xf32>
      tpu.vector_store %arg9[%swap3A_133], %swap3A_136 {strides = array<i32>} : memref<5120xf32, #tpu.memory_space<vmem>>, vector<16xf32>,
    }
    %scan3A_72 = arith.constant 320 : i32
    %mul3A = arith.constant 2 : i32
    %mul3A_73 = arith.muli %arg1, %mul3A : i32
    %add3A = arith.addi %mul3A_73, %arg0 : i32
    %scan3A_74 = arith.constant 0 : i32
    %scan3A_75 = arith.constant 0 : i32
    %mul3A_76 = arith.constant 1 : i32
    %mul3A_77 = arith.muli %add3A, %mul3A_76 : i32
    %add3A_78 = arith.addi %mul3A_77, %scan3A_75 : i32
    %mul3A_79 = arith.constant 16 : i32
    %mul3A_80 = arith.muli %add3A_78, %mul3A_79 : i32
    %get3A = arith.index_cast %mul3A_80 : i32 to index
    %get3A_81 = tpu.vector_load %arg4[%get3A] {strides = array<i32>} : memref<5120xf32, #tpu.memory_space<vmem>>, vector<16xf32>,
    %get3A_82 = vector.shape_cast %get3A_81 : vector<16xf32> to vector<16xf32>
    %get3A_83 = arith.index_cast %mul3A_80 : i32 to index
    %get3A_84 = tpu.vector_load %arg5[%get3A_83] {strides = array<i32>} : memref<5120xf32, #tpu.memory_space<vmem>>, vector<16xf32>,
    %get3A_85 = vector.shape_cast %get3A_84 : vector<16xf32> to vector<16xf32>
    %get3A_86 = arith.index_cast %mul3A_80 : i32 to index
    %get3A_87 = tpu.vector_load %arg6[%get3A_86] {strides = array<i32>} : memref<5120xf32, #tpu.memory_space<vmem>>, vector<16xf32>,
    %get3A_88 = vector.shape_cast %get3A_87 : vector<16xf32> to vector<16xf32>
    %get3A_89 = arith.index_cast %mul3A_80 : i32 to index
    %get3A_90 = tpu.vector_load %arg7[%get3A_89] {strides = array<i32>} : memref<5120xf32, #tpu.memory_space<vmem>>, vector<16xf32>,
    %get3A_91 = vector.shape_cast %get3A_90 : vector<16xf32> to vector<16xf32>
    %get3A_92 = arith.index_cast %mul3A_80 : i32 to index
    %get3A_93 = tpu.vector_load %arg8[%get3A_92] {strides = array<i32>} : memref<5120xf32, #tpu.memory_space<vmem>>, vector<16xf32>,
    %get3A_94 = vector.shape_cast %get3A_93 : vector<16xf32> to vector<16xf32>
    %get3A_95 = arith.index_cast %mul3A_80 : i32 to index
    %get3A_96 = tpu.vector_load %arg9[%get3A_95] {strides = array<i32>} : memref<5120xf32, #tpu.memory_space<vmem>>, vector<16xf32>,
    %get3A_97 = vector.shape_cast %get3A_96 : vector<16xf32> to vector<16xf32>
    %broadcast_in_dim3A = arith.constant 0.000000e+00 : f32
    %broadcast_in_dim3A_98 = vector.broadcast %broadcast_in_dim3A : f32 to vector<16xf32>
    %scan3A_99 = arith.constant 0 : i32
    %scan3A_100 = arith.constant 320 : i32
    %scan3A_101 = arith.addi %scan3A_99, %scan3A_100 : i32
    %scan3A_102 = arith.constant 1 : i32
    %scan3A_103:4 = scf.for %scan3A_116 = %scan3A_99 to %scan3A_101 step %scan3A_102 iter_args(%scan3A_117 = %broadcast_in_dim3A_98, %scan3A_118 = %broadcast_in_dim3A_98, %scan3A_119 = %broadcast_in_dim3A_98, %scan3A_120 = %broadcast_in_dim3A_98) -> (vector<16xf32>, vector<16xf32>, vector<16xf32>, vector<16xf32>)  : i32 {
      %mul3A_121 = arith.constant 16 : i32
      %mul3A_122 = arith.muli %scan3A_116, %mul3A_121 : i32
      %get3A_123 = arith.index_cast %mul3A_122 : i32 to index
      %get3A_124 = tpu.vector_load %arg4[%get3A_123] {strides = array<i32>} : memref<5120xf32, #tpu.memory_space<vmem>>, vector<16xf32>,
      %get3A_125 = vector.shape_cast %get3A_124 : vector<16xf32> to vector<16xf32>
      %get3A_126 = arith.index_cast %mul3A_122 : i32 to index
      %get3A_127 = tpu.vector_load %arg5[%get3A_126] {strides = array<i32>} : memref<5120xf32, #tpu.memory_space<vmem>>, vector<16xf32>,
      %get3A_128 = vector.shape_cast %get3A_127 : vector<16xf32> to vector<16xf32>
      %get3A_129 = arith.index_cast %mul3A_122 : i32 to index
      %get3A_130 = tpu.vector_load %arg6[%get3A_129] {strides = array<i32>} : memref<5120xf32, #tpu.memory_space<vmem>>, vector<16xf32>,
      %get3A_131 = vector.shape_cast %get3A_130 : vector<16xf32> to vector<16xf32>
      %get3A_132 = arith.index_cast %mul3A_122 : i32 to index
      %get3A_133 = tpu.vector_load %arg7[%get3A_132] {strides = array<i32>} : memref<5120xf32, #tpu.memory_space<vmem>>, vector<16xf32>,
      %get3A_134 = vector.shape_cast %get3A_133 : vector<16xf32> to vector<16xf32>
      %get3A_135 = arith.index_cast %mul3A_122 : i32 to index
      %get3A_136 = tpu.vector_load %arg8[%get3A_135] {strides = array<i32>} : memref<5120xf32, #tpu.memory_space<vmem>>, vector<16xf32>,
      %get3A_137 = vector.shape_cast %get3A_136 : vector<16xf32> to vector<16xf32>
      %get3A_138 = arith.index_cast %mul3A_122 : i32 to index
      %get3A_139 = tpu.vector_load %arg9[%get3A_138] {strides = array<i32>} : memref<5120xf32, #tpu.memory_space<vmem>>, vector<16xf32>,
      %get3A_140 = vector.shape_cast %get3A_139 : vector<16xf32> to vector<16xf32>
      %slice3A = vector.extract_strided_slice %get3A_125 {offsets = [0], sizes = [1], strides = [1]} : vector<16xf32> to vector<1xf32>
      %squeeze3A = vector.extract %slice3A[0] : f32 from vector<1xf32>
      %max3A = vector.broadcast %squeeze3A : f32 to vector<16xf32>
      %max3A_141 = arith.maximumf %get3A_82, %max3A : vector<16xf32>
      %slice3A_142 = vector.extract_strided_slice %get3A_128 {offsets = [0], sizes = [1], strides = [1]} : vector<16xf32> to vector<1xf32>
      %squeeze3A_143 = vector.extract %slice3A_142[0] : f32 from vector<1xf32>
      %max3A_144 = vector.broadcast %squeeze3A_143 : f32 to vector<16xf32>
      %max3A_145 = arith.maximumf %get3A_85, %max3A_144 : vector<16xf32>
      %slice3A_146 = vector.extract_strided_slice %get3A_131 {offsets = [0], sizes = [1], strides = [1]} : vector<16xf32> to vector<1xf32>
      %squeeze3A_147 = vector.extract %slice3A_146[0] : f32 from vector<1xf32>
      %min3A = vector.broadcast %squeeze3A_147 : f32 to vector<16xf32>
      %min3A_148 = arith.minimumf %get3A_88, %min3A : vector<16xf32>
      %slice3A_149 = vector.extract_strided_slice %get3A_134 {offsets = [0], sizes = [1], strides = [1]} : vector<16xf32> to vector<1xf32>
      %squeeze3A_150 = vector.extract %slice3A_149[0] : f32 from vector<1xf32>
      %min3A_151 = vector.broadcast %squeeze3A_150 : f32 to vector<16xf32>
      %min3A_152 = arith.minimumf %get3A_91, %min3A_151 : vector<16xf32>
      %sub3A = arith.subf %min3A_148, %max3A_141 : vector<16xf32>
      %max3A_153 = arith.constant 0.000000e+00 : f32
      %max3A_154 = vector.broadcast %max3A_153 : f32 to vector<16xf32>
      %max3A_155 = arith.maximumf %sub3A, %max3A_154 : vector<16xf32>
      %sub3A_156 = arith.subf %min3A_152, %max3A_145 : vector<16xf32>
      %max3A_157 = arith.constant 0.000000e+00 : f32
      %max3A_158 = vector.broadcast %max3A_157 : f32 to vector<16xf32>
      %max3A_159 = arith.maximumf %sub3A_156, %max3A_158 : vector<16xf32>
      %mul3A_160 = arith.mulf %max3A_155, %max3A_159 : vector<16xf32>
      %slice3A_161 = vector.extract_strided_slice %get3A_140 {offsets = [0], sizes = [1], strides = [1]} : vector<16xf32> to vector<1xf32>
      %squeeze3A_162 = vector.extract %slice3A_161[0] : f32 from vector<1xf32>
      %add3A_163 = vector.broadcast %squeeze3A_162 : f32 to vector<16xf32>
      %add3A_164 = arith.addf %get3A_97, %add3A_163 : vector<16xf32>
      %sub3A_165 = arith.subf %add3A_164, %mul3A_160 : vector<16xf32>
      %div3A = arith.divf %mul3A_160, %sub3A_165 : vector<16xf32>
      %slice3A_166 = vector.extract_strided_slice %get3A_137 {offsets = [0], sizes = [1], strides = [1]} : vector<16xf32> to vector<1xf32>
      %squeeze3A_167 = vector.extract %slice3A_166[0] : f32 from vector<1xf32>
      %gt3A = vector.broadcast %squeeze3A_167 : f32 to vector<16xf32>
      %gt3A_168 = arith.cmpf ogt, %gt3A, %get3A_94 : vector<16xf32>
      %mul3A_169 = arith.mulf %div3A, %div3A : vector<16xf32>
      %jit3A = arith.constant 0.000000e+00 : f32
      %broadcast_in_dim3A_170 = vector.broadcast %jit3A : f32 to vector<16xf32>
      %select_n3A = arith.select %gt3A_168, %mul3A_169, %broadcast_in_dim3A_170 : vector<16xi1>, vector<16xf32>
      %add3A_171 = arith.addf %scan3A_117, %select_n3A : vector<16xf32>
      %slice3A_172 = vector.extract_strided_slice %get3A_125 {offsets = [1], sizes = [1], strides = [1]} : vector<16xf32> to vector<1xf32>
      %squeeze3A_173 = vector.extract %slice3A_172[0] : f32 from vector<1xf32>
      %max3A_174 = vector.broadcast %squeeze3A_173 : f32 to vector<16xf32>
      %max3A_175 = arith.maximumf %get3A_82, %max3A_174 : vector<16xf32>
      %slice3A_176 = vector.extract_strided_slice %get3A_128 {offsets = [1], sizes = [1], strides = [1]} : vector<16xf32> to vector<1xf32>
      %squeeze3A_177 = vector.extract %slice3A_176[0] : f32 from vector<1xf32>
      %max3A_178 = vector.broadcast %squeeze3A_177 : f32 to vector<16xf32>
      %max3A_179 = arith.maximumf %get3A_85, %max3A_178 : vector<16xf32>
      %slice3A_180 = vector.extract_strided_slice %get3A_131 {offsets = [1], sizes = [1], strides = [1]} : vector<16xf32> to vector<1xf32>
      %squeeze3A_181 = vector.extract %slice3A_180[0] : f32 from vector<1xf32>
      %min3A_182 = vector.broadcast %squeeze3A_181 : f32 to vector<16xf32>
      %min3A_183 = arith.minimumf %get3A_88, %min3A_182 : vector<16xf32>
      %slice3A_184 = vector.extract_strided_slice %get3A_134 {offsets = [1], sizes = [1], strides = [1]} : vector<16xf32> to vector<1xf32>
      %squeeze3A_185 = vector.extract %slice3A_184[0] : f32 from vector<1xf32>
      %min3A_186 = vector.broadcast %squeeze3A_185 : f32 to vector<16xf32>
      %min3A_187 = arith.minimumf %get3A_91, %min3A_186 : vector<16xf32>
      %sub3A_188 = arith.subf %min3A_183, %max3A_175 : vector<16xf32>
      %max3A_189 = arith.constant 0.000000e+00 : f32
      %max3A_190 = vector.broadcast %max3A_189 : f32 to vector<16xf32>
      %max3A_191 = arith.maximumf %sub3A_188, %max3A_190 : vector<16xf32>
      %sub3A_192 = arith.subf %min3A_187, %max3A_179 : vector<16xf32>
      %max3A_193 = arith.constant 0.000000e+00 : f32
      %max3A_194 = vector.broadcast %max3A_193 : f32 to vector<16xf32>
      %max3A_195 = arith.maximumf %sub3A_192, %max3A_194 : vector<16xf32>
      %mul3A_196 = arith.mulf %max3A_191, %max3A_195 : vector<16xf32>
      %slice3A_197 = vector.extract_strided_slice %get3A_140 {offsets = [1], sizes = [1], strides = [1]} : vector<16xf32> to vector<1xf32>
      %squeeze3A_198 = vector.extract %slice3A_197[0] : f32 from vector<1xf32>
      %add3A_199 = vector.broadcast %squeeze3A_198 : f32 to vector<16xf32>
      %add3A_200 = arith.addf %get3A_97, %add3A_199 : vector<16xf32>
      %sub3A_201 = arith.subf %add3A_200, %mul3A_196 : vector<16xf32>
      %div3A_202 = arith.divf %mul3A_196, %sub3A_201 : vector<16xf32>
      %slice3A_203 = vector.extract_strided_slice %get3A_137 {offsets = [1], sizes = [1], strides = [1]} : vector<16xf32> to vector<1xf32>
      %squeeze3A_204 = vector.extract %slice3A_203[0] : f32 from vector<1xf32>
      %gt3A_205 = vector.broadcast %squeeze3A_204 : f32 to vector<16xf32>
      %gt3A_206 = arith.cmpf ogt, %gt3A_205, %get3A_94 : vector<16xf32>
      %mul3A_207 = arith.mulf %div3A_202, %div3A_202 : vector<16xf32>
      %jit3A_208 = arith.constant 0.000000e+00 : f32
      %broadcast_in_dim3A_209 = vector.broadcast %jit3A_208 : f32 to vector<16xf32>
      %select_n3A_210 = arith.select %gt3A_206, %mul3A_207, %broadcast_in_dim3A_209 : vector<16xi1>, vector<16xf32>
      %add3A_211 = arith.addf %scan3A_118, %select_n3A_210 : vector<16xf32>
      %slice3A_212 = vector.extract_strided_slice %get3A_125 {offsets = [2], sizes = [1], strides = [1]} : vector<16xf32> to vector<1xf32>
      %squeeze3A_213 = vector.extract %slice3A_212[0] : f32 from vector<1xf32>
      %max3A_214 = vector.broadcast %squeeze3A_213 : f32 to vector<16xf32>
      %max3A_215 = arith.maximumf %get3A_82, %max3A_214 : vector<16xf32>
      %slice3A_216 = vector.extract_strided_slice %get3A_128 {offsets = [2], sizes = [1], strides = [1]} : vector<16xf32> to vector<1xf32>
      %squeeze3A_217 = vector.extract %slice3A_216[0] : f32 from vector<1xf32>
      %max3A_218 = vector.broadcast %squeeze3A_217 : f32 to vector<16xf32>
      %max3A_219 = arith.maximumf %get3A_85, %max3A_218 : vector<16xf32>
      %slice3A_220 = vector.extract_strided_slice %get3A_131 {offsets = [2], sizes = [1], strides = [1]} : vector<16xf32> to vector<1xf32>
      %squeeze3A_221 = vector.extract %slice3A_220[0] : f32 from vector<1xf32>
      %min3A_222 = vector.broadcast %squeeze3A_221 : f32 to vector<16xf32>
      %min3A_223 = arith.minimumf %get3A_88, %min3A_222 : vector<16xf32>
      %slice3A_224 = vector.extract_strided_slice %get3A_134 {offsets = [2], sizes = [1], strides = [1]} : vector<16xf32> to vector<1xf32>
      %squeeze3A_225 = vector.extract %slice3A_224[0] : f32 from vector<1xf32>
      %min3A_226 = vector.broadcast %squeeze3A_225 : f32 to vector<16xf32>
      %min3A_227 = arith.minimumf %get3A_91, %min3A_226 : vector<16xf32>
      %sub3A_228 = arith.subf %min3A_223, %max3A_215 : vector<16xf32>
      %max3A_229 = arith.constant 0.000000e+00 : f32
      %max3A_230 = vector.broadcast %max3A_229 : f32 to vector<16xf32>
      %max3A_231 = arith.maximumf %sub3A_228, %max3A_230 : vector<16xf32>
      %sub3A_232 = arith.subf %min3A_227, %max3A_219 : vector<16xf32>
      %max3A_233 = arith.constant 0.000000e+00 : f32
      %max3A_234 = vector.broadcast %max3A_233 : f32 to vector<16xf32>
      %max3A_235 = arith.maximumf %sub3A_232, %max3A_234 : vector<16xf32>
      %mul3A_236 = arith.mulf %max3A_231, %max3A_235 : vector<16xf32>
      %slice3A_237 = vector.extract_strided_slice %get3A_140 {offsets = [2], sizes = [1], strides = [1]} : vector<16xf32> to vector<1xf32>
      %squeeze3A_238 = vector.extract %slice3A_237[0] : f32 from vector<1xf32>
      %add3A_239 = vector.broadcast %squeeze3A_238 : f32 to vector<16xf32>
      %add3A_240 = arith.addf %get3A_97, %add3A_239 : vector<16xf32>
      %sub3A_241 = arith.subf %add3A_240, %mul3A_236 : vector<16xf32>
      %div3A_242 = arith.divf %mul3A_236, %sub3A_241 : vector<16xf32>
      %slice3A_243 = vector.extract_strided_slice %get3A_137 {offsets = [2], sizes = [1], strides = [1]} : vector<16xf32> to vector<1xf32>
      %squeeze3A_244 = vector.extract %slice3A_243[0] : f32 from vector<1xf32>
      %gt3A_245 = vector.broadcast %squeeze3A_244 : f32 to vector<16xf32>
      %gt3A_246 = arith.cmpf ogt, %gt3A_245, %get3A_94 : vector<16xf32>
      %mul3A_247 = arith.mulf %div3A_242, %div3A_242 : vector<16xf32>
      %jit3A_248 = arith.constant 0.000000e+00 : f32
      %broadcast_in_dim3A_249 = vector.broadcast %jit3A_248 : f32 to vector<16xf32>
      %select_n3A_250 = arith.select %gt3A_246, %mul3A_247, %broadcast_in_dim3A_249 : vector<16xi1>, vector<16xf32>
      %add3A_251 = arith.addf %scan3A_119, %select_n3A_250 : vector<16xf32>
      %slice3A_252 = vector.extract_strided_slice %get3A_125 {offsets = [3], sizes = [1], strides = [1]} : vector<16xf32> to vector<1xf32>
      %squeeze3A_253 = vector.extract %slice3A_252[0] : f32 from vector<1xf32>
      %max3A_254 = vector.broadcast %squeeze3A_253 : f32 to vector<16xf32>
      %max3A_255 = arith.maximumf %get3A_82, %max3A_254 : vector<16xf32>
      %slice3A_256 = vector.extract_strided_slice %get3A_128 {offsets = [3], sizes = [1], strides = [1]} : vector<16xf32> to vector<1xf32>
      %squeeze3A_257 = vector.extract %slice3A_256[0] : f32 from vector<1xf32>
      %max3A_258 = vector.broadcast %squeeze3A_257 : f32 to vector<16xf32>
      %max3A_259 = arith.maximumf %get3A_85, %max3A_258 : vector<16xf32>
      %slice3A_260 = vector.extract_strided_slice %get3A_131 {offsets = [3], sizes = [1], strides = [1]} : vector<16xf32> to vector<1xf32>
      %squeeze3A_261 = vector.extract %slice3A_260[0] : f32 from vector<1xf32>
      %min3A_262 = vector.broadcast %squeeze3A_261 : f32 to vector<16xf32>
      %min3A_263 = arith.minimumf %get3A_88, %min3A_262 : vector<16xf32>
      %slice3A_264 = vector.extract_strided_slice %get3A_134 {offsets = [3], sizes = [1], strides = [1]} : vector<16xf32> to vector<1xf32>
      %squeeze3A_265 = vector.extract %slice3A_264[0] : f32 from vector<1xf32>
      %min3A_266 = vector.broadcast %squeeze3A_265 : f32 to vector<16xf32>
      %min3A_267 = arith.minimumf %get3A_91, %min3A_266 : vector<16xf32>
      %sub3A_268 = arith.subf %min3A_263, %max3A_255 : vector<16xf32>
      %max3A_269 = arith.constant 0.000000e+00 : f32
      %max3A_270 = vector.broadcast %max3A_269 : f32 to vector<16xf32>
      %max3A_271 = arith.maximumf %sub3A_268, %max3A_270 : vector<16xf32>
      %sub3A_272 = arith.subf %min3A_267, %max3A_259 : vector<16xf32>
      %max3A_273 = arith.constant 0.000000e+00 : f32
      %max3A_274 = vector.broadcast %max3A_273 : f32 to vector<16xf32>
      %max3A_275 = arith.maximumf %sub3A_272, %max3A_274 : vector<16xf32>
      %mul3A_276 = arith.mulf %max3A_271, %max3A_275 : vector<16xf32>
      %slice3A_277 = vector.extract_strided_slice %get3A_140 {offsets = [3], sizes = [1], strides = [1]} : vector<16xf32> to vector<1xf32>
      %squeeze3A_278 = vector.extract %slice3A_277[0] : f32 from vector<1xf32>
      %add3A_279 = vector.broadcast %squeeze3A_278 : f32 to vector<16xf32>
      %add3A_280 = arith.addf %get3A_97, %add3A_279 : vector<16xf32>
      %sub3A_281 = arith.subf %add3A_280, %mul3A_276 : vector<16xf32>
      %div3A_282 = arith.divf %mul3A_276, %sub3A_281 : vector<16xf32>
      %slice3A_283 = vector.extract_strided_slice %get3A_137 {offsets = [3], sizes = [1], strides = [1]} : vector<16xf32> to vector<1xf32>
      %squeeze3A_284 = vector.extract %slice3A_283[0] : f32 from vector<1xf32>
      %gt3A_285 = vector.broadcast %squeeze3A_284 : f32 to vector<16xf32>
      %gt3A_286 = arith.cmpf ogt, %gt3A_285, %get3A_94 : vector<16xf32>
      %mul3A_287 = arith.mulf %div3A_282, %div3A_282 : vector<16xf32>
      %jit3A_288 = arith.constant 0.000000e+00 : f32
      %broadcast_in_dim3A_289 = vector.broadcast %jit3A_288 : f32 to vector<16xf32>
      %select_n3A_290 = arith.select %gt3A_286, %mul3A_287, %broadcast_in_dim3A_289 : vector<16xi1>, vector<16xf32>
      %add3A_291 = arith.addf %scan3A_120, %select_n3A_290 : vector<16xf32>
      %slice3A_292 = vector.extract_strided_slice %get3A_125 {offsets = [4], sizes = [1], strides = [1]} : vector<16xf32> to vector<1xf32>
      %squeeze3A_293 = vector.extract %slice3A_292[0] : f32 from vector<1xf32>
      %max3A_294 = vector.broadcast %squeeze3A_293 : f32 to vector<16xf32>
      %max3A_295 = arith.maximumf %get3A_82, %max3A_294 : vector<16xf32>
      %slice3A_296 = vector.extract_strided_slice %get3A_128 {offsets = [4], sizes = [1], strides = [1]} : vector<16xf32> to vector<1xf32>
      %squeeze3A_297 = vector.extract %slice3A_296[0] : f32 from vector<1xf32>
      %max3A_298 = vector.broadcast %squeeze3A_297 : f32 to vector<16xf32>
      %max3A_299 = arith.maximumf %get3A_85, %max3A_298 : vector<16xf32>
      %slice3A_300 = vector.extract_strided_slice %get3A_131 {offsets = [4], sizes = [1], strides = [1]} : vector<16xf32> to vector<1xf32>
      %squeeze3A_301 = vector.extract %slice3A_300[0] : f32 from vector<1xf32>
      %min3A_302 = vector.broadcast %squeeze3A_301 : f32 to vector<16xf32>
      %min3A_303 = arith.minimumf %get3A_88, %min3A_302 : vector<16xf32>
      %slice3A_304 = vector.extract_strided_slice %get3A_134 {offsets = [4], sizes = [1], strides = [1]} : vector<16xf32> to vector<1xf32>
      %squeeze3A_305 = vector.extract %slice3A_304[0] : f32 from vector<1xf32>
      %min3A_306 = vector.broadcast %squeeze3A_305 : f32 to vector<16xf32>
      %min3A_307 = arith.minimumf %get3A_91, %min3A_306 : vector<16xf32>
      %sub3A_308 = arith.subf %min3A_303, %max3A_295 : vector<16xf32>
      %max3A_309 = arith.constant 0.000000e+00 : f32
      %max3A_310 = vector.broadcast %max3A_309 : f32 to vector<16xf32>
      %max3A_311 = arith.maximumf %sub3A_308, %max3A_310 : vector<16xf32>
      %sub3A_312 = arith.subf %min3A_307, %max3A_299 : vector<16xf32>
      %max3A_313 = arith.constant 0.000000e+00 : f32
      %max3A_314 = vector.broadcast %max3A_313 : f32 to vector<16xf32>
      %max3A_315 = arith.maximumf %sub3A_312, %max3A_314 : vector<16xf32>
      %mul3A_316 = arith.mulf %max3A_311, %max3A_315 : vector<16xf32>
      %slice3A_317 = vector.extract_strided_slice %get3A_140 {offsets = [4], sizes = [1], strides = [1]} : vector<16xf32> to vector<1xf32>
      %squeeze3A_318 = vector.extract %slice3A_317[0] : f32 from vector<1xf32>
      %add3A_319 = vector.broadcast %squeeze3A_318 : f32 to vector<16xf32>
      %add3A_320 = arith.addf %get3A_97, %add3A_319 : vector<16xf32>
      %sub3A_321 = arith.subf %add3A_320, %mul3A_316 : vector<16xf32>
      %div3A_322 = arith.divf %mul3A_316, %sub3A_321 : vector<16xf32>
      %slice3A_323 = vector.extract_strided_slice %get3A_137 {offsets = [4], sizes = [1], strides = [1]} : vector<16xf32> to vector<1xf32>
      %squeeze3A_324 = vector.extract %slice3A_323[0] : f32 from vector<1xf32>
      %gt3A_325 = vector.broadcast %squeeze3A_324 : f32 to vector<16xf32>
      %gt3A_326 = arith.cmpf ogt, %gt3A_325, %get3A_94 : vector<16xf32>
      %mul3A_327 = arith.mulf %div3A_322, %div3A_322 : vector<16xf32>
      %jit3A_328 = arith.constant 0.000000e+00 : f32
      %broadcast_in_dim3A_329 = vector.broadcast %jit3A_328 : f32 to vector<16xf32>
      %select_n3A_330 = arith.select %gt3A_326, %mul3A_327, %broadcast_in_dim3A_329 : vector<16xi1>, vector<16xf32>
      %add3A_331 = arith.addf %add3A_171, %select_n3A_330 : vector<16xf32>
      %slice3A_332 = vector.extract_strided_slice %get3A_125 {offsets = [5], sizes = [1], strides = [1]} : vector<16xf32> to vector<1xf32>
      %squeeze3A_333 = vector.extract %slice3A_332[0] : f32 from vector<1xf32>
      %max3A_334 = vector.broadcast %squeeze3A_333 : f32 to vector<16xf32>
      %max3A_335 = arith.maximumf %get3A_82, %max3A_334 : vector<16xf32>
      %slice3A_336 = vector.extract_strided_slice %get3A_128 {offsets = [5], sizes = [1], strides = [1]} : vector<16xf32> to vector<1xf32>
      %squeeze3A_337 = vector.extract %slice3A_336[0] : f32 from vector<1xf32>
      %max3A_338 = vector.broadcast %squeeze3A_337 : f32 to vector<16xf32>
      %max3A_339 = arith.maximumf %get3A_85, %max3A_338 : vector<16xf32>
      %slice3A_340 = vector.extract_strided_slice %get3A_131 {offsets = [5], sizes = [1], strides = [1]} : vector<16xf32> to vector<1xf32>
      %squeeze3A_341 = vector.extract %slice3A_340[0] : f32 from vector<1xf32>
      %min3A_342 = vector.broadcast %squeeze3A_341 : f32 to vector<16xf32>
      %min3A_343 = arith.minimumf %get3A_88, %min3A_342 : vector<16xf32>
      %slice3A_344 = vector.extract_strided_slice %get3A_134 {offsets = [5], sizes = [1], strides = [1]} : vector<16xf32> to vector<1xf32>
      %squeeze3A_345 = vector.extract %slice3A_344[0] : f32 from vector<1xf32>
      %min3A_346 = vector.broadcast %squeeze3A_345 : f32 to vector<16xf32>
      %min3A_347 = arith.minimumf %get3A_91, %min3A_346 : vector<16xf32>
      %sub3A_348 = arith.subf %min3A_343, %max3A_335 : vector<16xf32>
      %max3A_349 = arith.constant 0.000000e+00 : f32
      %max3A_350 = vector.broadcast %max3A_349 : f32 to vector<16xf32>
      %max3A_351 = arith.maximumf %sub3A_348, %max3A_350 : vector<16xf32>
      %sub3A_352 = arith.subf %min3A_347, %max3A_339 : vector<16xf32>
      %max3A_353 = arith.constant 0.000000e+00 : f32
      %max3A_354 = vector.broadcast %max3A_353 : f32 to vector<16xf32>
      %max3A_355 = arith.maximumf %sub3A_352, %max3A_354 : vector<16xf32>
      %mul3A_356 = arith.mulf %max3A_351, %max3A_355 : vector<16xf32>
      %slice3A_357 = vector.extract_strided_slice %get3A_140 {offsets = [5], sizes = [1], strides = [1]} : vector<16xf32> to vector<1xf32>
      %squeeze3A_358 = vector.extract %slice3A_357[0] : f32 from vector<1xf32>
      %add3A_359 = vector.broadcast %squeeze3A_358 : f32 to vector<16xf32>
      %add3A_360 = arith.addf %get3A_97, %add3A_359 : vector<16xf32>
      %sub3A_361 = arith.subf %add3A_360, %mul3A_356 : vector<16xf32>
      %div3A_362 = arith.divf %mul3A_356, %sub3A_361 : vector<16xf32>
      %slice3A_363 = vector.extract_strided_slice %get3A_137 {offsets = [5], sizes = [1], strides = [1]} : vector<16xf32> to vector<1xf32>
      %squeeze3A_364 = vector.extract %slice3A_363[0] : f32 from vector<1xf32>
      %gt3A_365 = vector.broadcast %squeeze3A_364 : f32 to vector<16xf32>
      %gt3A_366 = arith.cmpf ogt, %gt3A_365, %get3A_94 : vector<16xf32>
      %mul3A_367 = arith.mulf %div3A_362, %div3A_362 : vector<16xf32>
      %jit3A_368 = arith.constant 0.000000e+00 : f32
      %broadcast_in_dim3A_369 = vector.broadcast %jit3A_368 : f32 to vector<16xf32>
      %select_n3A_370 = arith.select %gt3A_366, %mul3A_367, %broadcast_in_dim3A_369 : vector<16xi1>, vector<16xf32>
      %add3A_371 = arith.addf %add3A_211, %select_n3A_370 : vector<16xf32>
      %slice3A_372 = vector.extract_strided_slice %get3A_125 {offsets = [6], sizes = [1], strides = [1]} : vector<16xf32> to vector<1xf32>
      %squeeze3A_373 = vector.extract %slice3A_372[0] : f32 from vector<1xf32>
      %max3A_374 = vector.broadcast %squeeze3A_373 : f32 to vector<16xf32>
      %max3A_375 = arith.maximumf %get3A_82, %max3A_374 : vector<16xf32>
      %slice3A_376 = vector.extract_strided_slice %get3A_128 {offsets = [6], sizes = [1], strides = [1]} : vector<16xf32> to vector<1xf32>
      %squeeze3A_377 = vector.extract %slice3A_376[0] : f32 from vector<1xf32>
      %max3A_378 = vector.broadcast %squeeze3A_377 : f32 to vector<16xf32>
      %max3A_379 = arith.maximumf %get3A_85, %max3A_378 : vector<16xf32>
      %slice3A_380 = vector.extract_strided_slice %get3A_131 {offsets = [6], sizes = [1], strides = [1]} : vector<16xf32> to vector<1xf32>
      %squeeze3A_381 = vector.extract %slice3A_380[0] : f32 from vector<1xf32>
      %min3A_382 = vector.broadcast %squeeze3A_381 : f32 to vector<16xf32>
      %min3A_383 = arith.minimumf %get3A_88, %min3A_382 : vector<16xf32>
      %slice3A_384 = vector.extract_strided_slice %get3A_134 {offsets = [6], sizes = [1], strides = [1]} : vector<16xf32> to vector<1xf32>
      %squeeze3A_385 = vector.extract %slice3A_384[0] : f32 from vector<1xf32>
      %min3A_386 = vector.broadcast %squeeze3A_385 : f32 to vector<16xf32>
      %min3A_387 = arith.minimumf %get3A_91, %min3A_386 : vector<16xf32>
      %sub3A_388 = arith.subf %min3A_383, %max3A_375 : vector<16xf32>
      %max3A_389 = arith.constant 0.000000e+00 : f32
      %max3A_390 = vector.broadcast %max3A_389 : f32 to vector<16xf32>
      %max3A_391 = arith.maximumf %sub3A_388, %max3A_390 : vector<16xf32>
      %sub3A_392 = arith.subf %min3A_387, %max3A_379 : vector<16xf32>
      %max3A_393 = arith.constant 0.000000e+00 : f32
      %max3A_394 = vector.broadcast %max3A_393 : f32 to vector<16xf32>
      %max3A_395 = arith.maximumf %sub3A_392, %max3A_394 : vector<16xf32>
      %mul3A_396 = arith.mulf %max3A_391, %max3A_395 : vector<16xf32>
      %slice3A_397 = vector.extract_strided_slice %get3A_140 {offsets = [6], sizes = [1], strides = [1]} : vector<16xf32> to vector<1xf32>
      %squeeze3A_398 = vector.extract %slice3A_397[0] : f32 from vector<1xf32>
      %add3A_399 = vector.broadcast %squeeze3A_398 : f32 to vector<16xf32>
      %add3A_400 = arith.addf %get3A_97, %add3A_399 : vector<16xf32>
      %sub3A_401 = arith.subf %add3A_400, %mul3A_396 : vector<16xf32>
      %div3A_402 = arith.divf %mul3A_396, %sub3A_401 : vector<16xf32>
      %slice3A_403 = vector.extract_strided_slice %get3A_137 {offsets = [6], sizes = [1], strides = [1]} : vector<16xf32> to vector<1xf32>
      %squeeze3A_404 = vector.extract %slice3A_403[0] : f32 from vector<1xf32>
      %gt3A_405 = vector.broadcast %squeeze3A_404 : f32 to vector<16xf32>
      %gt3A_406 = arith.cmpf ogt, %gt3A_405, %get3A_94 : vector<16xf32>
      %mul3A_407 = arith.mulf %div3A_402, %div3A_402 : vector<16xf32>
      %jit3A_408 = arith.constant 0.000000e+00 : f32
      %broadcast_in_dim3A_409 = vector.broadcast %jit3A_408 : f32 to vector<16xf32>
      %select_n3A_410 = arith.select %gt3A_406, %mul3A_407, %broadcast_in_dim3A_409 : vector<16xi1>, vector<16xf32>
      %add3A_411 = arith.addf %add3A_251, %select_n3A_410 : vector<16xf32>
      %slice3A_412 = vector.extract_strided_slice %get3A_125 {offsets = [7], sizes = [1], strides = [1]} : vector<16xf32> to vector<1xf32>
      %squeeze3A_413 = vector.extract %slice3A_412[0] : f32 from vector<1xf32>
      %max3A_414 = vector.broadcast %squeeze3A_413 : f32 to vector<16xf32>
      %max3A_415 = arith.maximumf %get3A_82, %max3A_414 : vector<16xf32>
      %slice3A_416 = vector.extract_strided_slice %get3A_128 {offsets = [7], sizes = [1], strides = [1]} : vector<16xf32> to vector<1xf32>
      %squeeze3A_417 = vector.extract %slice3A_416[0] : f32 from vector<1xf32>
      %max3A_418 = vector.broadcast %squeeze3A_417 : f32 to vector<16xf32>
      %max3A_419 = arith.maximumf %get3A_85, %max3A_418 : vector<16xf32>
      %slice3A_420 = vector.extract_strided_slice %get3A_131 {offsets = [7], sizes = [1], strides = [1]} : vector<16xf32> to vector<1xf32>
      %squeeze3A_421 = vector.extract %slice3A_420[0] : f32 from vector<1xf32>
      %min3A_422 = vector.broadcast %squeeze3A_421 : f32 to vector<16xf32>
      %min3A_423 = arith.minimumf %get3A_88, %min3A_422 : vector<16xf32>
      %slice3A_424 = vector.extract_strided_slice %get3A_134 {offsets = [7], sizes = [1], strides = [1]} : vector<16xf32> to vector<1xf32>
      %squeeze3A_425 = vector.extract %slice3A_424[0] : f32 from vector<1xf32>
      %min3A_426 = vector.broadcast %squeeze3A_425 : f32 to vector<16xf32>
      %min3A_427 = arith.minimumf %get3A_91, %min3A_426 : vector<16xf32>
      %sub3A_428 = arith.subf %min3A_423, %max3A_415 : vector<16xf32>
      %max3A_429 = arith.constant 0.000000e+00 : f32
      %max3A_430 = vector.broadcast %max3A_429 : f32 to vector<16xf32>
      %max3A_431 = arith.maximumf %sub3A_428, %max3A_430 : vector<16xf32>
      %sub3A_432 = arith.subf %min3A_427, %max3A_419 : vector<16xf32>
      %max3A_433 = arith.constant 0.000000e+00 : f32
      %max3A_434 = vector.broadcast %max3A_433 : f32 to vector<16xf32>
      %max3A_435 = arith.maximumf %sub3A_432, %max3A_434 : vector<16xf32>
      %mul3A_436 = arith.mulf %max3A_431, %max3A_435 : vector<16xf32>
      %slice3A_437 = vector.extract_strided_slice %get3A_140 {offsets = [7], sizes = [1], strides = [1]} : vector<16xf32> to vector<1xf32>
      %squeeze3A_438 = vector.extract %slice3A_437[0] : f32 from vector<1xf32>
      %add3A_439 = vector.broadcast %squeeze3A_438 : f32 to vector<16xf32>
      %add3A_440 = arith.addf %get3A_97, %add3A_439 : vector<16xf32>
      %sub3A_441 = arith.subf %add3A_440, %mul3A_436 : vector<16xf32>
      %div3A_442 = arith.divf %mul3A_436, %sub3A_441 : vector<16xf32>
      %slice3A_443 = vector.extract_strided_slice %get3A_137 {offsets = [7], sizes = [1], strides = [1]} : vector<16xf32> to vector<1xf32>
      %squeeze3A_444 = vector.extract %slice3A_443[0] : f32 from vector<1xf32>
      %gt3A_445 = vector.broadcast %squeeze3A_444 : f32 to vector<16xf32>
      %gt3A_446 = arith.cmpf ogt, %gt3A_445, %get3A_94 : vector<16xf32>
      %mul3A_447 = arith.mulf %div3A_442, %div3A_442 : vector<16xf32>
      %jit3A_448 = arith.constant 0.000000e+00 : f32
      %broadcast_in_dim3A_449 = vector.broadcast %jit3A_448 : f32 to vector<16xf32>
      %select_n3A_450 = arith.select %gt3A_446, %mul3A_447, %broadcast_in_dim3A_449 : vector<16xi1>, vector<16xf32>
      %add3A_451 = arith.addf %add3A_291, %select_n3A_450 : vector<16xf32>
      %slice3A_452 = vector.extract_strided_slice %get3A_125 {offsets = [8], sizes = [1], strides = [1]} : vector<16xf32> to vector<1xf32>
      %squeeze3A_453 = vector.extract %slice3A_452[0] : f32 from vector<1xf32>
      %max3A_454 = vector.broadcast %squeeze3A_453 : f32 to vector<16xf32>
      %max3A_455 = arith.maximumf %get3A_82, %max3A_454 : vector<16xf32>
      %slice3A_456 = vector.extract_strided_slice %get3A_128 {offsets = [8], sizes = [1], strides = [1]} : vector<16xf32> to vector<1xf32>
      %squeeze3A_457 = vector.extract %slice3A_456[0] : f32 from vector<1xf32>
      %max3A_458 = vector.broadcast %squeeze3A_457 : f32 to vector<16xf32>
      %max3A_459 = arith.maximumf %get3A_85, %max3A_458 : vector<16xf32>
      %slice3A_460 = vector.extract_strided_slice %get3A_131 {offsets = [8], sizes = [1], strides = [1]} : vector<16xf32> to vector<1xf32>
      %squeeze3A_461 = vector.extract %slice3A_460[0] : f32 from vector<1xf32>
      %min3A_462 = vector.broadcast %squeeze3A_461 : f32 to vector<16xf32>
      %min3A_463 = arith.minimumf %get3A_88, %min3A_462 : vector<16xf32>
      %slice3A_464 = vector.extract_strided_slice %get3A_134 {offsets = [8], sizes = [1], strides = [1]} : vector<16xf32> to vector<1xf32>
      %squeeze3A_465 = vector.extract %slice3A_464[0] : f32 from vector<1xf32>
      %min3A_466 = vector.broadcast %squeeze3A_465 : f32 to vector<16xf32>
      %min3A_467 = arith.minimumf %get3A_91, %min3A_466 : vector<16xf32>
      %sub3A_468 = arith.subf %min3A_463, %max3A_455 : vector<16xf32>
      %max3A_469 = arith.constant 0.000000e+00 : f32
      %max3A_470 = vector.broadcast %max3A_469 : f32 to vector<16xf32>
      %max3A_471 = arith.maximumf %sub3A_468, %max3A_470 : vector<16xf32>
      %sub3A_472 = arith.subf %min3A_467, %max3A_459 : vector<16xf32>
      %max3A_473 = arith.constant 0.000000e+00 : f32
      %max3A_474 = vector.broadcast %max3A_473 : f32 to vector<16xf32>
      %max3A_475 = arith.maximumf %sub3A_472, %max3A_474 : vector<16xf32>
      %mul3A_476 = arith.mulf %max3A_471, %max3A_475 : vector<16xf32>
      %slice3A_477 = vector.extract_strided_slice %get3A_140 {offsets = [8], sizes = [1], strides = [1]} : vector<16xf32> to vector<1xf32>
      %squeeze3A_478 = vector.extract %slice3A_477[0] : f32 from vector<1xf32>
      %add3A_479 = vector.broadcast %squeeze3A_478 : f32 to vector<16xf32>
      %add3A_480 = arith.addf %get3A_97, %add3A_479 : vector<16xf32>
      %sub3A_481 = arith.subf %add3A_480, %mul3A_476 : vector<16xf32>
      %div3A_482 = arith.divf %mul3A_476, %sub3A_481 : vector<16xf32>
      %slice3A_483 = vector.extract_strided_slice %get3A_137 {offsets = [8], sizes = [1], strides = [1]} : vector<16xf32> to vector<1xf32>
      %squeeze3A_484 = vector.extract %slice3A_483[0] : f32 from vector<1xf32>
      %gt3A_485 = vector.broadcast %squeeze3A_484 : f32 to vector<16xf32>
      %gt3A_486 = arith.cmpf ogt, %gt3A_485, %get3A_94 : vector<16xf32>
      %mul3A_487 = arith.mulf %div3A_482, %div3A_482 : vector<16xf32>
      %jit3A_488 = arith.constant 0.000000e+00 : f32
      %broadcast_in_dim3A_489 = vector.broadcast %jit3A_488 : f32 to vector<16xf32>
      %select_n3A_490 = arith.select %gt3A_486, %mul3A_487, %broadcast_in_dim3A_489 : vector<16xi1>, vector<16xf32>
      %add3A_491 = arith.addf %add3A_331, %select_n3A_490 : vector<16xf32>
      %slice3A_492 = vector.extract_strided_slice %get3A_125 {offsets = [9], sizes = [1], strides = [1]} : vector<16xf32> to vector<1xf32>
      %squeeze3A_493 = vector.extract %slice3A_492[0] : f32 from vector<1xf32>
      %max3A_494 = vector.broadcast %squeeze3A_493 : f32 to vector<16xf32>
      %max3A_495 = arith.maximumf %get3A_82, %max3A_494 : vector<16xf32>
      %slice3A_496 = vector.extract_strided_slice %get3A_128 {offsets = [9], sizes = [1], strides = [1]} : vector<16xf32> to vector<1xf32>
      %squeeze3A_497 = vector.extract %slice3A_496[0] : f32 from vector<1xf32>
      %max3A_498 = vector.broadcast %squeeze3A_497 : f32 to vector<16xf32>
      %max3A_499 = arith.maximumf %get3A_85, %max3A_498 : vector<16xf32>
      %slice3A_500 = vector.extract_strided_slice %get3A_131 {offsets = [9], sizes = [1], strides = [1]} : vector<16xf32> to vector<1xf32>
      %squeeze3A_501 = vector.extract %slice3A_500[0] : f32 from vector<1xf32>
      %min3A_502 = vector.broadcast %squeeze3A_501 : f32 to vector<16xf32>
      %min3A_503 = arith.minimumf %get3A_88, %min3A_502 : vector<16xf32>
      %slice3A_504 = vector.extract_strided_slice %get3A_134 {offsets = [9], sizes = [1], strides = [1]} : vector<16xf32> to vector<1xf32>
      %squeeze3A_505 = vector.extract %slice3A_504[0] : f32 from vector<1xf32>
      %min3A_506 = vector.broadcast %squeeze3A_505 : f32 to vector<16xf32>
      %min3A_507 = arith.minimumf %get3A_91, %min3A_506 : vector<16xf32>
      %sub3A_508 = arith.subf %min3A_503, %max3A_495 : vector<16xf32>
      %max3A_509 = arith.constant 0.000000e+00 : f32
      %max3A_510 = vector.broadcast %max3A_509 : f32 to vector<16xf32>
      %max3A_511 = arith.maximumf %sub3A_508, %max3A_510 : vector<16xf32>
      %sub3A_512 = arith.subf %min3A_507, %max3A_499 : vector<16xf32>
      %max3A_513 = arith.constant 0.000000e+00 : f32
      %max3A_514 = vector.broadcast %max3A_513 : f32 to vector<16xf32>
      %max3A_515 = arith.maximumf %sub3A_512, %max3A_514 : vector<16xf32>
      %mul3A_516 = arith.mulf %max3A_511, %max3A_515 : vector<16xf32>
      %slice3A_517 = vector.extract_strided_slice %get3A_140 {offsets = [9], sizes = [1], strides = [1]} : vector<16xf32> to vector<1xf32>
      %squeeze3A_518 = vector.extract %slice3A_517[0] : f32 from vector<1xf32>
      %add3A_519 = vector.broadcast %squeeze3A_518 : f32 to vector<16xf32>
      %add3A_520 = arith.addf %get3A_97, %add3A_519 : vector<16xf32>
      %sub3A_521 = arith.subf %add3A_520, %mul3A_516 : vector<16xf32>
      %div3A_522 = arith.divf %mul3A_516, %sub3A_521 : vector<16xf32>
      %slice3A_523 = vector.extract_strided_slice %get3A_137 {offsets = [9], sizes = [1], strides = [1]} : vector<16xf32> to vector<1xf32>
      %squeeze3A_524 = vector.extract %slice3A_523[0] : f32 from vector<1xf32>
      %gt3A_525 = vector.broadcast %squeeze3A_524 : f32 to vector<16xf32>
      %gt3A_526 = arith.cmpf ogt, %gt3A_525, %get3A_94 : vector<16xf32>
      %mul3A_527 = arith.mulf %div3A_522, %div3A_522 : vector<16xf32>
      %jit3A_528 = arith.constant 0.000000e+00 : f32
      %broadcast_in_dim3A_529 = vector.broadcast %jit3A_528 : f32 to vector<16xf32>
      %select_n3A_530 = arith.select %gt3A_526, %mul3A_527, %broadcast_in_dim3A_529 : vector<16xi1>, vector<16xf32>
      %add3A_531 = arith.addf %add3A_371, %select_n3A_530 : vector<16xf32>
      %slice3A_532 = vector.extract_strided_slice %get3A_125 {offsets = [10], sizes = [1], strides = [1]} : vector<16xf32> to vector<1xf32>
      %squeeze3A_533 = vector.extract %slice3A_532[0] : f32 from vector<1xf32>
      %max3A_534 = vector.broadcast %squeeze3A_533 : f32 to vector<16xf32>
      %max3A_535 = arith.maximumf %get3A_82, %max3A_534 : vector<16xf32>
      %slice3A_536 = vector.extract_strided_slice %get3A_128 {offsets = [10], sizes = [1], strides = [1]} : vector<16xf32> to vector<1xf32>
      %squeeze3A_537 = vector.extract %slice3A_536[0] : f32 from vector<1xf32>
      %max3A_538 = vector.broadcast %squeeze3A_537 : f32 to vector<16xf32>
      %max3A_539 = arith.maximumf %get3A_85, %max3A_538 : vector<16xf32>
      %slice3A_540 = vector.extract_strided_slice %get3A_131 {offsets = [10], sizes = [1], strides = [1]} : vector<16xf32> to vector<1xf32>
      %squeeze3A_541 = vector.extract %slice3A_540[0] : f32 from vector<1xf32>
      %min3A_542 = vector.broadcast %squeeze3A_541 : f32 to vector<16xf32>
      %min3A_543 = arith.minimumf %get3A_88, %min3A_542 : vector<16xf32>
      %slice3A_544 = vector.extract_strided_slice %get3A_134 {offsets = [10], sizes = [1], strides = [1]} : vector<16xf32> to vector<1xf32>
      %squeeze3A_545 = vector.extract %slice3A_544[0] : f32 from vector<1xf32>
      %min3A_546 = vector.broadcast %squeeze3A_545 : f32 to vector<16xf32>
      %min3A_547 = arith.minimumf %get3A_91, %min3A_546 : vector<16xf32>
      %sub3A_548 = arith.subf %min3A_543, %max3A_535 : vector<16xf32>
      %max3A_549 = arith.constant 0.000000e+00 : f32
      %max3A_550 = vector.broadcast %max3A_549 : f32 to vector<16xf32>
      %max3A_551 = arith.maximumf %sub3A_548, %max3A_550 : vector<16xf32>
      %sub3A_552 = arith.subf %min3A_547, %max3A_539 : vector<16xf32>
      %max3A_553 = arith.constant 0.000000e+00 : f32
      %max3A_554 = vector.broadcast %max3A_553 : f32 to vector<16xf32>
      %max3A_555 = arith.maximumf %sub3A_552, %max3A_554 : vector<16xf32>
      %mul3A_556 = arith.mulf %max3A_551, %max3A_555 : vector<16xf32>
      %slice3A_557 = vector.extract_strided_slice %get3A_140 {offsets = [10], sizes = [1], strides = [1]} : vector<16xf32> to vector<1xf32>
      %squeeze3A_558 = vector.extract %slice3A_557[0] : f32 from vector<1xf32>
      %add3A_559 = vector.broadcast %squeeze3A_558 : f32 to vector<16xf32>
      %add3A_560 = arith.addf %get3A_97, %add3A_559 : vector<16xf32>
      %sub3A_561 = arith.subf %add3A_560, %mul3A_556 : vector<16xf32>
      %div3A_562 = arith.divf %mul3A_556, %sub3A_561 : vector<16xf32>
      %slice3A_563 = vector.extract_strided_slice %get3A_137 {offsets = [10], sizes = [1], strides = [1]} : vector<16xf32> to vector<1xf32>
      %squeeze3A_564 = vector.extract %slice3A_563[0] : f32 from vector<1xf32>
      %gt3A_565 = vector.broadcast %squeeze3A_564 : f32 to vector<16xf32>
      %gt3A_566 = arith.cmpf ogt, %gt3A_565, %get3A_94 : vector<16xf32>
      %mul3A_567 = arith.mulf %div3A_562, %div3A_562 : vector<16xf32>
      %jit3A_568 = arith.constant 0.000000e+00 : f32
      %broadcast_in_dim3A_569 = vector.broadcast %jit3A_568 : f32 to vector<16xf32>
      %select_n3A_570 = arith.select %gt3A_566, %mul3A_567, %broadcast_in_dim3A_569 : vector<16xi1>, vector<16xf32>
      %add3A_571 = arith.addf %add3A_411, %select_n3A_570 : vector<16xf32>
      %slice3A_572 = vector.extract_strided_slice %get3A_125 {offsets = [11], sizes = [1], strides = [1]} : vector<16xf32> to vector<1xf32>
      %squeeze3A_573 = vector.extract %slice3A_572[0] : f32 from vector<1xf32>
      %max3A_574 = vector.broadcast %squeeze3A_573 : f32 to vector<16xf32>
      %max3A_575 = arith.maximumf %get3A_82, %max3A_574 : vector<16xf32>
      %slice3A_576 = vector.extract_strided_slice %get3A_128 {offsets = [11], sizes = [1], strides = [1]} : vector<16xf32> to vector<1xf32>
      %squeeze3A_577 = vector.extract %slice3A_576[0] : f32 from vector<1xf32>
      %max3A_578 = vector.broadcast %squeeze3A_577 : f32 to vector<16xf32>
      %max3A_579 = arith.maximumf %get3A_85, %max3A_578 : vector<16xf32>
      %slice3A_580 = vector.extract_strided_slice %get3A_131 {offsets = [11], sizes = [1], strides = [1]} : vector<16xf32> to vector<1xf32>
      %squeeze3A_581 = vector.extract %slice3A_580[0] : f32 from vector<1xf32>
      %min3A_582 = vector.broadcast %squeeze3A_581 : f32 to vector<16xf32>
      %min3A_583 = arith.minimumf %get3A_88, %min3A_582 : vector<16xf32>
      %slice3A_584 = vector.extract_strided_slice %get3A_134 {offsets = [11], sizes = [1], strides = [1]} : vector<16xf32> to vector<1xf32>
      %squeeze3A_585 = vector.extract %slice3A_584[0] : f32 from vector<1xf32>
      %min3A_586 = vector.broadcast %squeeze3A_585 : f32 to vector<16xf32>
      %min3A_587 = arith.minimumf %get3A_91, %min3A_586 : vector<16xf32>
      %sub3A_588 = arith.subf %min3A_583, %max3A_575 : vector<16xf32>
      %max3A_589 = arith.constant 0.000000e+00 : f32
      %max3A_590 = vector.broadcast %max3A_589 : f32 to vector<16xf32>
      %max3A_591 = arith.maximumf %sub3A_588, %max3A_590 : vector<16xf32>
      %sub3A_592 = arith.subf %min3A_587, %max3A_579 : vector<16xf32>
      %max3A_593 = arith.constant 0.000000e+00 : f32
      %max3A_594 = vector.broadcast %max3A_593 : f32 to vector<16xf32>
      %max3A_595 = arith.maximumf %sub3A_592, %max3A_594 : vector<16xf32>
      %mul3A_596 = arith.mulf %max3A_591, %max3A_595 : vector<16xf32>
      %slice3A_597 = vector.extract_strided_slice %get3A_140 {offsets = [11], sizes = [1], strides = [1]} : vector<16xf32> to vector<1xf32>
      %squeeze3A_598 = vector.extract %slice3A_597[0] : f32 from vector<1xf32>
      %add3A_599 = vector.broadcast %squeeze3A_598 : f32 to vector<16xf32>
      %add3A_600 = arith.addf %get3A_97, %add3A_599 : vector<16xf32>
      %sub3A_601 = arith.subf %add3A_600, %mul3A_596 : vector<16xf32>
      %div3A_602 = arith.divf %mul3A_596, %sub3A_601 : vector<16xf32>
      %slice3A_603 = vector.extract_strided_slice %get3A_137 {offsets = [11], sizes = [1], strides = [1]} : vector<16xf32> to vector<1xf32>
      %squeeze3A_604 = vector.extract %slice3A_603[0] : f32 from vector<1xf32>
      %gt3A_605 = vector.broadcast %squeeze3A_604 : f32 to vector<16xf32>
      %gt3A_606 = arith.cmpf ogt, %gt3A_605, %get3A_94 : vector<16xf32>
      %mul3A_607 = arith.mulf %div3A_602, %div3A_602 : vector<16xf32>
      %jit3A_608 = arith.constant 0.000000e+00 : f32
      %broadcast_in_dim3A_609 = vector.broadcast %jit3A_608 : f32 to vector<16xf32>
      %select_n3A_610 = arith.select %gt3A_606, %mul3A_607, %broadcast_in_dim3A_609 : vector<16xi1>, vector<16xf32>
      %add3A_611 = arith.addf %add3A_451, %select_n3A_610 : vector<16xf32>
      %slice3A_612 = vector.extract_strided_slice %get3A_125 {offsets = [12], sizes = [1], strides = [1]} : vector<16xf32> to vector<1xf32>
      %squeeze3A_613 = vector.extract %slice3A_612[0] : f32 from vector<1xf32>
      %max3A_614 = vector.broadcast %squeeze3A_613 : f32 to vector<16xf32>
      %max3A_615 = arith.maximumf %get3A_82, %max3A_614 : vector<16xf32>
      %slice3A_616 = vector.extract_strided_slice %get3A_128 {offsets = [12], sizes = [1], strides = [1]} : vector<16xf32> to vector<1xf32>
      %squeeze3A_617 = vector.extract %slice3A_616[0] : f32 from vector<1xf32>
      %max3A_618 = vector.broadcast %squeeze3A_617 : f32 to vector<16xf32>
      %max3A_619 = arith.maximumf %get3A_85, %max3A_618 : vector<16xf32>
      %slice3A_620 = vector.extract_strided_slice %get3A_131 {offsets = [12], sizes = [1], strides = [1]} : vector<16xf32> to vector<1xf32>
      %squeeze3A_621 = vector.extract %slice3A_620[0] : f32 from vector<1xf32>
      %min3A_622 = vector.broadcast %squeeze3A_621 : f32 to vector<16xf32>
      %min3A_623 = arith.minimumf %get3A_88, %min3A_622 : vector<16xf32>
      %slice3A_624 = vector.extract_strided_slice %get3A_134 {offsets = [12], sizes = [1], strides = [1]} : vector<16xf32> to vector<1xf32>
      %squeeze3A_625 = vector.extract %slice3A_624[0] : f32 from vector<1xf32>
      %min3A_626 = vector.broadcast %squeeze3A_625 : f32 to vector<16xf32>
      %min3A_627 = arith.minimumf %get3A_91, %min3A_626 : vector<16xf32>
      %sub3A_628 = arith.subf %min3A_623, %max3A_615 : vector<16xf32>
      %max3A_629 = arith.constant 0.000000e+00 : f32
      %max3A_630 = vector.broadcast %max3A_629 : f32 to vector<16xf32>
      %max3A_631 = arith.maximumf %sub3A_628, %max3A_630 : vector<16xf32>
      %sub3A_632 = arith.subf %min3A_627, %max3A_619 : vector<16xf32>
      %max3A_633 = arith.constant 0.000000e+00 : f32
      %max3A_634 = vector.broadcast %max3A_633 : f32 to vector<16xf32>
      %max3A_635 = arith.maximumf %sub3A_632, %max3A_634 : vector<16xf32>
      %mul3A_636 = arith.mulf %max3A_631, %max3A_635 : vector<16xf32>
      %slice3A_637 = vector.extract_strided_slice %get3A_140 {offsets = [12], sizes = [1], strides = [1]} : vector<16xf32> to vector<1xf32>
      %squeeze3A_638 = vector.extract %slice3A_637[0] : f32 from vector<1xf32>
      %add3A_639 = vector.broadcast %squeeze3A_638 : f32 to vector<16xf32>
      %add3A_640 = arith.addf %get3A_97, %add3A_639 : vector<16xf32>
      %sub3A_641 = arith.subf %add3A_640, %mul3A_636 : vector<16xf32>
      %div3A_642 = arith.divf %mul3A_636, %sub3A_641 : vector<16xf32>
      %slice3A_643 = vector.extract_strided_slice %get3A_137 {offsets = [12], sizes = [1], strides = [1]} : vector<16xf32> to vector<1xf32>
      %squeeze3A_644 = vector.extract %slice3A_643[0] : f32 from vector<1xf32>
      %gt3A_645 = vector.broadcast %squeeze3A_644 : f32 to vector<16xf32>
      %gt3A_646 = arith.cmpf ogt, %gt3A_645, %get3A_94 : vector<16xf32>
      %mul3A_647 = arith.mulf %div3A_642, %div3A_642 : vector<16xf32>
      %jit3A_648 = arith.constant 0.000000e+00 : f32
      %broadcast_in_dim3A_649 = vector.broadcast %jit3A_648 : f32 to vector<16xf32>
      %select_n3A_650 = arith.select %gt3A_646, %mul3A_647, %broadcast_in_dim3A_649 : vector<16xi1>, vector<16xf32>
      %add3A_651 = arith.addf %add3A_491, %select_n3A_650 : vector<16xf32>
      %slice3A_652 = vector.extract_strided_slice %get3A_125 {offsets = [13], sizes = [1], strides = [1]} : vector<16xf32> to vector<1xf32>
      %squeeze3A_653 = vector.extract %slice3A_652[0] : f32 from vector<1xf32>
      %max3A_654 = vector.broadcast %squeeze3A_653 : f32 to vector<16xf32>
      %max3A_655 = arith.maximumf %get3A_82, %max3A_654 : vector<16xf32>
      %slice3A_656 = vector.extract_strided_slice %get3A_128 {offsets = [13], sizes = [1], strides = [1]} : vector<16xf32> to vector<1xf32>
      %squeeze3A_657 = vector.extract %slice3A_656[0] : f32 from vector<1xf32>
      %max3A_658 = vector.broadcast %squeeze3A_657 : f32 to vector<16xf32>
      %max3A_659 = arith.maximumf %get3A_85, %max3A_658 : vector<16xf32>
      %slice3A_660 = vector.extract_strided_slice %get3A_131 {offsets = [13], sizes = [1], strides = [1]} : vector<16xf32> to vector<1xf32>
      %squeeze3A_661 = vector.extract %slice3A_660[0] : f32 from vector<1xf32>
      %min3A_662 = vector.broadcast %squeeze3A_661 : f32 to vector<16xf32>
      %min3A_663 = arith.minimumf %get3A_88, %min3A_662 : vector<16xf32>
      %slice3A_664 = vector.extract_strided_slice %get3A_134 {offsets = [13], sizes = [1], strides = [1]} : vector<16xf32> to vector<1xf32>
      %squeeze3A_665 = vector.extract %slice3A_664[0] : f32 from vector<1xf32>
      %min3A_666 = vector.broadcast %squeeze3A_665 : f32 to vector<16xf32>
      %min3A_667 = arith.minimumf %get3A_91, %min3A_666 : vector<16xf32>
      %sub3A_668 = arith.subf %min3A_663, %max3A_655 : vector<16xf32>
      %max3A_669 = arith.constant 0.000000e+00 : f32
      %max3A_670 = vector.broadcast %max3A_669 : f32 to vector<16xf32>
      %max3A_671 = arith.maximumf %sub3A_668, %max3A_670 : vector<16xf32>
      %sub3A_672 = arith.subf %min3A_667, %max3A_659 : vector<16xf32>
      %max3A_673 = arith.constant 0.000000e+00 : f32
      %max3A_674 = vector.broadcast %max3A_673 : f32 to vector<16xf32>
      %max3A_675 = arith.maximumf %sub3A_672, %max3A_674 : vector<16xf32>
      %mul3A_676 = arith.mulf %max3A_671, %max3A_675 : vector<16xf32>
      %slice3A_677 = vector.extract_strided_slice %get3A_140 {offsets = [13], sizes = [1], strides = [1]} : vector<16xf32> to vector<1xf32>
      %squeeze3A_678 = vector.extract %slice3A_677[0] : f32 from vector<1xf32>
      %add3A_679 = vector.broadcast %squeeze3A_678 : f32 to vector<16xf32>
      %add3A_680 = arith.addf %get3A_97, %add3A_679 : vector<16xf32>
      %sub3A_681 = arith.subf %add3A_680, %mul3A_676 : vector<16xf32>
      %div3A_682 = arith.divf %mul3A_676, %sub3A_681 : vector<16xf32>
      %slice3A_683 = vector.extract_strided_slice %get3A_137 {offsets = [13], sizes = [1], strides = [1]} : vector<16xf32> to vector<1xf32>
      %squeeze3A_684 = vector.extract %slice3A_683[0] : f32 from vector<1xf32>
      %gt3A_685 = vector.broadcast %squeeze3A_684 : f32 to vector<16xf32>
      %gt3A_686 = arith.cmpf ogt, %gt3A_685, %get3A_94 : vector<16xf32>
      %mul3A_687 = arith.mulf %div3A_682, %div3A_682 : vector<16xf32>
      %jit3A_688 = arith.constant 0.000000e+00 : f32
      %broadcast_in_dim3A_689 = vector.broadcast %jit3A_688 : f32 to vector<16xf32>
      %select_n3A_690 = arith.select %gt3A_686, %mul3A_687, %broadcast_in_dim3A_689 : vector<16xi1>, vector<16xf32>
      %add3A_691 = arith.addf %add3A_531, %select_n3A_690 : vector<16xf32>
      %slice3A_692 = vector.extract_strided_slice %get3A_125 {offsets = [14], sizes = [1], strides = [1]} : vector<16xf32> to vector<1xf32>
      %squeeze3A_693 = vector.extract %slice3A_692[0] : f32 from vector<1xf32>
      %max3A_694 = vector.broadcast %squeeze3A_693 : f32 to vector<16xf32>
      %max3A_695 = arith.maximumf %get3A_82, %max3A_694 : vector<16xf32>
      %slice3A_696 = vector.extract_strided_slice %get3A_128 {offsets = [14], sizes = [1], strides = [1]} : vector<16xf32> to vector<1xf32>
      %squeeze3A_697 = vector.extract %slice3A_696[0] : f32 from vector<1xf32>
      %max3A_698 = vector.broadcast %squeeze3A_697 : f32 to vector<16xf32>
      %max3A_699 = arith.maximumf %get3A_85, %max3A_698 : vector<16xf32>
      %slice3A_700 = vector.extract_strided_slice %get3A_131 {offsets = [14], sizes = [1], strides = [1]} : vector<16xf32> to vector<1xf32>
      %squeeze3A_701 = vector.extract %slice3A_700[0] : f32 from vector<1xf32>
      %min3A_702 = vector.broadcast %squeeze3A_701 : f32 to vector<16xf32>
      %min3A_703 = arith.minimumf %get3A_88, %min3A_702 : vector<16xf32>
      %slice3A_704 = vector.extract_strided_slice %get3A_134 {offsets = [14], sizes = [1], strides = [1]} : vector<16xf32> to vector<1xf32>
      %squeeze3A_705 = vector.extract %slice3A_704[0] : f32 from vector<1xf32>
      %min3A_706 = vector.broadcast %squeeze3A_705 : f32 to vector<16xf32>
      %min3A_707 = arith.minimumf %get3A_91, %min3A_706 : vector<16xf32>
      %sub3A_708 = arith.subf %min3A_703, %max3A_695 : vector<16xf32>
      %max3A_709 = arith.constant 0.000000e+00 : f32
      %max3A_710 = vector.broadcast %max3A_709 : f32 to vector<16xf32>
      %max3A_711 = arith.maximumf %sub3A_708, %max3A_710 : vector<16xf32>
      %sub3A_712 = arith.subf %min3A_707, %max3A_699 : vector<16xf32>
      %max3A_713 = arith.constant 0.000000e+00 : f32
      %max3A_714 = vector.broadcast %max3A_713 : f32 to vector<16xf32>
      %max3A_715 = arith.maximumf %sub3A_712, %max3A_714 : vector<16xf32>
      %mul3A_716 = arith.mulf %max3A_711, %max3A_715 : vector<16xf32>
      %slice3A_717 = vector.extract_strided_slice %get3A_140 {offsets = [14], sizes = [1], strides = [1]} : vector<16xf32> to vector<1xf32>
      %squeeze3A_718 = vector.extract %slice3A_717[0] : f32 from vector<1xf32>
      %add3A_719 = vector.broadcast %squeeze3A_718 : f32 to vector<16xf32>
      %add3A_720 = arith.addf %get3A_97, %add3A_719 : vector<16xf32>
      %sub3A_721 = arith.subf %add3A_720, %mul3A_716 : vector<16xf32>
      %div3A_722 = arith.divf %mul3A_716, %sub3A_721 : vector<16xf32>
      %slice3A_723 = vector.extract_strided_slice %get3A_137 {offsets = [14], sizes = [1], strides = [1]} : vector<16xf32> to vector<1xf32>
      %squeeze3A_724 = vector.extract %slice3A_723[0] : f32 from vector<1xf32>
      %gt3A_725 = vector.broadcast %squeeze3A_724 : f32 to vector<16xf32>
      %gt3A_726 = arith.cmpf ogt, %gt3A_725, %get3A_94 : vector<16xf32>
      %mul3A_727 = arith.mulf %div3A_722, %div3A_722 : vector<16xf32>
      %jit3A_728 = arith.constant 0.000000e+00 : f32
      %broadcast_in_dim3A_729 = vector.broadcast %jit3A_728 : f32 to vector<16xf32>
      %select_n3A_730 = arith.select %gt3A_726, %mul3A_727, %broadcast_in_dim3A_729 : vector<16xi1>, vector<16xf32>
      %add3A_731 = arith.addf %add3A_571, %select_n3A_730 : vector<16xf32>
      %slice3A_732 = vector.extract_strided_slice %get3A_125 {offsets = [15], sizes = [1], strides = [1]} : vector<16xf32> to vector<1xf32>
      %squeeze3A_733 = vector.extract %slice3A_732[0] : f32 from vector<1xf32>
      %max3A_734 = vector.broadcast %squeeze3A_733 : f32 to vector<16xf32>
      %max3A_735 = arith.maximumf %get3A_82, %max3A_734 : vector<16xf32>
      %slice3A_736 = vector.extract_strided_slice %get3A_128 {offsets = [15], sizes = [1], strides = [1]} : vector<16xf32> to vector<1xf32>
      %squeeze3A_737 = vector.extract %slice3A_736[0] : f32 from vector<1xf32>
      %max3A_738 = vector.broadcast %squeeze3A_737 : f32 to vector<16xf32>
      %max3A_739 = arith.maximumf %get3A_85, %max3A_738 : vector<16xf32>
      %slice3A_740 = vector.extract_strided_slice %get3A_131 {offsets = [15], sizes = [1], strides = [1]} : vector<16xf32> to vector<1xf32>
      %squeeze3A_741 = vector.extract %slice3A_740[0] : f32 from vector<1xf32>
      %min3A_742 = vector.broadcast %squeeze3A_741 : f32 to vector<16xf32>
      %min3A_743 = arith.minimumf %get3A_88, %min3A_742 : vector<16xf32>
      %slice3A_744 = vector.extract_strided_slice %get3A_134 {offsets = [15], sizes = [1], strides = [1]} : vector<16xf32> to vector<1xf32>
      %squeeze3A_745 = vector.extract %slice3A_744[0] : f32 from vector<1xf32>
      %min3A_746 = vector.broadcast %squeeze3A_745 : f32 to vector<16xf32>
      %min3A_747 = arith.minimumf %get3A_91, %min3A_746 : vector<16xf32>
      %sub3A_748 = arith.subf %min3A_743, %max3A_735 : vector<16xf32>
      %max3A_749 = arith.constant 0.000000e+00 : f32
      %max3A_750 = vector.broadcast %max3A_749 : f32 to vector<16xf32>
      %max3A_751 = arith.maximumf %sub3A_748, %max3A_750 : vector<16xf32>
      %sub3A_752 = arith.subf %min3A_747, %max3A_739 : vector<16xf32>
      %max3A_753 = arith.constant 0.000000e+00 : f32
      %max3A_754 = vector.broadcast %max3A_753 : f32 to vector<16xf32>
      %max3A_755 = arith.maximumf %sub3A_752, %max3A_754 : vector<16xf32>
      %mul3A_756 = arith.mulf %max3A_751, %max3A_755 : vector<16xf32>
      %slice3A_757 = vector.extract_strided_slice %get3A_140 {offsets = [15], sizes = [1], strides = [1]} : vector<16xf32> to vector<1xf32>
      %squeeze3A_758 = vector.extract %slice3A_757[0] : f32 from vector<1xf32>
      %add3A_759 = vector.broadcast %squeeze3A_758 : f32 to vector<16xf32>
      %add3A_760 = arith.addf %get3A_97, %add3A_759 : vector<16xf32>
      %sub3A_761 = arith.subf %add3A_760, %mul3A_756 : vector<16xf32>
      %div3A_762 = arith.divf %mul3A_756, %sub3A_761 : vector<16xf32>
      %slice3A_763 = vector.extract_strided_slice %get3A_137 {offsets = [15], sizes = [1], strides = [1]} : vector<16xf32> to vector<1xf32>
      %squeeze3A_764 = vector.extract %slice3A_763[0] : f32 from vector<1xf32>
      %gt3A_765 = vector.broadcast %squeeze3A_764 : f32 to vector<16xf32>
      %gt3A_766 = arith.cmpf ogt, %gt3A_765, %get3A_94 : vector<16xf32>
      %mul3A_767 = arith.mulf %div3A_762, %div3A_762 : vector<16xf32>
      %jit3A_768 = arith.constant 0.000000e+00 : f32
      %broadcast_in_dim3A_769 = vector.broadcast %jit3A_768 : f32 to vector<16xf32>
      %select_n3A_770 = arith.select %gt3A_766, %mul3A_767, %broadcast_in_dim3A_769 : vector<16xi1>, vector<16xf32>
      %add3A_771 = arith.addf %add3A_611, %select_n3A_770 : vector<16xf32>
      scf.yield %add3A_651, %add3A_691, %add3A_731, %add3A_771 : vector<16xf32>, vector<16xf32>, vector<16xf32>, vector<16xf32>
    }
    %scan3A_104 = arith.constant 320 : i32
    %add3A_105 = arith.addf %scan3A_103#0, %scan3A_103#1 : vector<16xf32>
    %add3A_106 = arith.addf %scan3A_103#2, %scan3A_103#3 : vector<16xf32>
    %add3A_107 = arith.addf %add3A_105, %add3A_106 : vector<16xf32>
    %mul3A_108 = arith.constant -2.000000e+00 : f32
    %mul3A_109 = vector.broadcast %mul3A_108 : f32 to vector<16xf32>
    %mul3A_110 = arith.mulf %add3A_107, %mul3A_109 : vector<16xf32>
    %exp3A = math.exp %mul3A_110 : vector<16xf32>
    %mul3A_111 = arith.mulf %get3A_94, %exp3A : vector<16xf32>
    %swap3A = arith.constant 0 : index
    %swap3A_112 = tpu.vector_load %arg10[%swap3A] {strides = array<i32>} : memref<16xf32, #tpu.memory_space<vmem>>, vector<16xf32>,
    %swap3A_113 = vector.shape_cast %swap3A_112 : vector<16xf32> to vector<16xf32>
    %swap3A_114 = vector.shape_cast %mul3A_111 : vector<16xf32> to vector<16xf32>
    tpu.vector_store %arg10[%swap3A], %swap3A_114 {strides = array<i32>} : memref<16xf32, #tpu.memory_space<vmem>>, vector<16xf32>,
    "tpu.region"() ({
      %run_scoped3A = tpu.sem_alloc : memref<!tpu.dma_semaphore, #tpu.memory_space<semaphore_mem>>
      %dma_start3A_116 = tpu.memref_slice %arg3[%mul3A_80] : memref<512xf32, #tpu.memory_space<hbm>> -> memref<16xf32, #tpu.memory_space<hbm>>
      %dma_start3A_117 = tpu.memref_slice %arg3[%mul3A_80] : memref<512xf32, #tpu.memory_space<hbm>> -> memref<16xf32, #tpu.memory_space<hbm>>
      tpu.enqueue_dma source(%arg10 : memref<16xf32, #tpu.memory_space<vmem>>) target(%dma_start3A_117 : memref<16xf32, #tpu.memory_space<hbm>>) target_semaphore(%run_scoped3A : memref<!tpu.dma_semaphore, #tpu.memory_space<semaphore_mem>>)
      %dma_wait3A_118 = tpu.memref_slice %arg3[%mul3A_80] : memref<512xf32, #tpu.memory_space<hbm>> -> memref<16xf32, #tpu.memory_space<hbm>>
      %dma_wait3A_119 = tpu.memref_slice %arg3[%mul3A_80] : memref<512xf32, #tpu.memory_space<hbm>> -> memref<16xf32, #tpu.memory_space<hbm>>
      tpu.wait_dma2 semaphore(%run_scoped3A : memref<!tpu.dma_semaphore, #tpu.memory_space<semaphore_mem>>) src(%arg10 : memref<16xf32, #tpu.memory_space<vmem>>) dst(%dma_wait3A_119 : memref<16xf32, #tpu.memory_space<hbm>>)
      tpu.yield
    }) : () -> ()
    %scan3A_115 = arith.constant 1 : i32
    return
  }
}

module attributes {stable_mosaic.version = 14 : i64} {
  func.func @_tc_body(%arg0: i32, %arg1: memref<512x8xf32, #tpu.memory_space<vmem>>, %arg2: memref<8x5120xf32, #tpu.memory_space<vmem>>, %arg3: memref<512x1xf32, #tpu.memory_space<vmem>>) attributes {dimension_semantics = [#tpu.dimension_semantics<arbitrary>], iteration_bounds = array<i64: 9>, scalar_prefetch = 0 : i64, scratch_operands = 0 : i64, tpu.core_type = #tpu.core_type<tc>, window_params = [{transform_indices = @transform_0, window_bounds = array<i64: 512, 8>}, {pipeline_mode = #tpu.pipeline_mode<synchronous>, transform_indices = @transform_1, window_bounds = array<i64: 8, 5120>}, {transform_indices = @transform_2, window_bounds = array<i64: 512, 1>}]} {
    %get3A = arith.constant 0 : index
    %get3A_0 = arith.constant 0 : index
    %get3A_1 = vector.load %arg1[%get3A, %get3A_0] : memref<512x8xf32, #tpu.memory_space<vmem>>, vector<512x8xf32>
    %slice3A = vector.extract_strided_slice %get3A_1 {offsets = [0, 0], sizes = [512, 1], strides = [1, 1]} : vector<512x8xf32> to vector<512x1xf32>
    %slice3A_2 = vector.extract_strided_slice %get3A_1 {offsets = [0, 1], sizes = [512, 1], strides = [1, 1]} : vector<512x8xf32> to vector<512x1xf32>
    %slice3A_3 = vector.extract_strided_slice %get3A_1 {offsets = [0, 2], sizes = [512, 1], strides = [1, 1]} : vector<512x8xf32> to vector<512x1xf32>
    %slice3A_4 = vector.extract_strided_slice %get3A_1 {offsets = [0, 3], sizes = [512, 1], strides = [1, 1]} : vector<512x8xf32> to vector<512x1xf32>
    %slice3A_5 = vector.extract_strided_slice %get3A_1 {offsets = [0, 4], sizes = [512, 1], strides = [1, 1]} : vector<512x8xf32> to vector<512x1xf32>
    %sub3A = arith.subf %slice3A_3, %slice3A : vector<512x1xf32>
    %sub3A_6 = arith.subf %slice3A_4, %slice3A_2 : vector<512x1xf32>
    %mul3A = arith.mulf %sub3A, %sub3A_6 : vector<512x1xf32>
    %broadcast_in_dim3A = arith.constant 0.000000e+00 : f32
    %broadcast_in_dim3A_7 = vector.broadcast %broadcast_in_dim3A : f32 to vector<512x1xf32>
    %scan3A = arith.constant 0 : i32
    %mul3A_8 = arith.constant 512 : i32
    %mul3A_9 = arith.muli %scan3A, %mul3A_8 : i32
    %get3A_10 = arith.constant 0 : index
    %get3A_11 = arith.index_cast %mul3A_9 : i32 to index
    %get3A_12 = vector.load %arg2[%get3A_10, %get3A_11] : memref<8x5120xf32, #tpu.memory_space<vmem>>, vector<1x512xf32>
    %get3A_13 = arith.constant 1 : index
    %get3A_14 = arith.index_cast %mul3A_9 : i32 to index
    %get3A_15 = vector.load %arg2[%get3A_13, %get3A_14] : memref<8x5120xf32, #tpu.memory_space<vmem>>, vector<1x512xf32>
    %get3A_16 = arith.constant 2 : index
    %get3A_17 = arith.index_cast %mul3A_9 : i32 to index
    %get3A_18 = vector.load %arg2[%get3A_16, %get3A_17] : memref<8x5120xf32, #tpu.memory_space<vmem>>, vector<1x512xf32>
    %get3A_19 = arith.constant 3 : index
    %get3A_20 = arith.index_cast %mul3A_9 : i32 to index
    %get3A_21 = vector.load %arg2[%get3A_19, %get3A_20] : memref<8x5120xf32, #tpu.memory_space<vmem>>, vector<1x512xf32>
    %get3A_22 = arith.constant 4 : index
    %get3A_23 = arith.index_cast %mul3A_9 : i32 to index
    %get3A_24 = vector.load %arg2[%get3A_22, %get3A_23] : memref<8x5120xf32, #tpu.memory_space<vmem>>, vector<1x512xf32>
    %sub3A_25 = arith.subf %get3A_18, %get3A_12 : vector<1x512xf32>
    %sub3A_26 = arith.subf %get3A_21, %get3A_15 : vector<1x512xf32>
    %mul3A_27 = arith.mulf %sub3A_25, %sub3A_26 : vector<1x512xf32>
    %max3A = vector.broadcast %slice3A : vector<512x1xf32> to vector<512x512xf32>
    %max3A_28 = vector.broadcast %get3A_12 : vector<1x512xf32> to vector<512x512xf32>
    %max3A_29 = arith.maximumf %max3A, %max3A_28 : vector<512x512xf32>
    %max3A_30 = vector.broadcast %slice3A_2 : vector<512x1xf32> to vector<512x512xf32>
    %max3A_31 = vector.broadcast %get3A_15 : vector<1x512xf32> to vector<512x512xf32>
    %max3A_32 = arith.maximumf %max3A_30, %max3A_31 : vector<512x512xf32>
    %min3A = vector.broadcast %slice3A_3 : vector<512x1xf32> to vector<512x512xf32>
    %min3A_33 = vector.broadcast %get3A_18 : vector<1x512xf32> to vector<512x512xf32>
    %min3A_34 = arith.minimumf %min3A, %min3A_33 : vector<512x512xf32>
    %min3A_35 = vector.broadcast %slice3A_4 : vector<512x1xf32> to vector<512x512xf32>
    %min3A_36 = vector.broadcast %get3A_21 : vector<1x512xf32> to vector<512x512xf32>
    %min3A_37 = arith.minimumf %min3A_35, %min3A_36 : vector<512x512xf32>
    %sub3A_38 = arith.subf %min3A_34, %max3A_29 : vector<512x512xf32>
    %max3A_39 = arith.constant 0.000000e+00 : f32
    %max3A_40 = vector.broadcast %max3A_39 : f32 to vector<512x512xf32>
    %max3A_41 = arith.maximumf %sub3A_38, %max3A_40 : vector<512x512xf32>
    %sub3A_42 = arith.subf %min3A_37, %max3A_32 : vector<512x512xf32>
    %max3A_43 = arith.constant 0.000000e+00 : f32
    %max3A_44 = vector.broadcast %max3A_43 : f32 to vector<512x512xf32>
    %max3A_45 = arith.maximumf %sub3A_42, %max3A_44 : vector<512x512xf32>
    %mul3A_46 = arith.mulf %max3A_41, %max3A_45 : vector<512x512xf32>
    %add3A = vector.broadcast %mul3A : vector<512x1xf32> to vector<512x512xf32>
    %add3A_47 = vector.broadcast %mul3A_27 : vector<1x512xf32> to vector<512x512xf32>
    %add3A_48 = arith.addf %add3A, %add3A_47 : vector<512x512xf32>
    %sub3A_49 = arith.subf %add3A_48, %mul3A_46 : vector<512x512xf32>
    %div3A = arith.divf %mul3A_46, %sub3A_49 : vector<512x512xf32>
    %gt3A = vector.broadcast %get3A_24 : vector<1x512xf32> to vector<512x512xf32>
    %gt3A_50 = vector.broadcast %slice3A_5 : vector<512x1xf32> to vector<512x512xf32>
    %gt3A_51 = arith.cmpf ogt, %gt3A, %gt3A_50 : vector<512x512xf32>
    %mul3A_52 = arith.mulf %div3A, %div3A : vector<512x512xf32>
    %jit3A = arith.constant 0.000000e+00 : f32
    %broadcast_in_dim3A_53 = vector.broadcast %jit3A : f32 to vector<512x512xf32>
    %select_n3A = arith.select %gt3A_51, %mul3A_52, %broadcast_in_dim3A_53 : vector<512x512xi1>, vector<512x512xf32>
    %reduce_sum3A = arith.constant dense<0.000000e+00> : vector<512xf32>
    %reduce_sum3A_54 = vector.multi_reduction <add>, %select_n3A, %reduce_sum3A [1] : vector<512x512xf32> to vector<512xf32>
    %broadcast_in_dim3A_55 = vector.shape_cast %reduce_sum3A_54 : vector<512xf32> to vector<512x1xf32>
    %add3A_56 = arith.addf %broadcast_in_dim3A_7, %broadcast_in_dim3A_55 : vector<512x1xf32>
    %scan3A_57 = arith.constant 1 : i32
    %mul3A_58 = arith.constant 512 : i32
    %mul3A_59 = arith.muli %scan3A_57, %mul3A_58 : i32
    %get3A_60 = arith.constant 0 : index
    %get3A_61 = arith.index_cast %mul3A_59 : i32 to index
    %get3A_62 = vector.load %arg2[%get3A_60, %get3A_61] : memref<8x5120xf32, #tpu.memory_space<vmem>>, vector<1x512xf32>
    %get3A_63 = arith.constant 1 : index
    %get3A_64 = arith.index_cast %mul3A_59 : i32 to index
    %get3A_65 = vector.load %arg2[%get3A_63, %get3A_64] : memref<8x5120xf32, #tpu.memory_space<vmem>>, vector<1x512xf32>
    %get3A_66 = arith.constant 2 : index
    %get3A_67 = arith.index_cast %mul3A_59 : i32 to index
    %get3A_68 = vector.load %arg2[%get3A_66, %get3A_67] : memref<8x5120xf32, #tpu.memory_space<vmem>>, vector<1x512xf32>
    %get3A_69 = arith.constant 3 : index
    %get3A_70 = arith.index_cast %mul3A_59 : i32 to index
    %get3A_71 = vector.load %arg2[%get3A_69, %get3A_70] : memref<8x5120xf32, #tpu.memory_space<vmem>>, vector<1x512xf32>
    %get3A_72 = arith.constant 4 : index
    %get3A_73 = arith.index_cast %mul3A_59 : i32 to index
    %get3A_74 = vector.load %arg2[%get3A_72, %get3A_73] : memref<8x5120xf32, #tpu.memory_space<vmem>>, vector<1x512xf32>
    %sub3A_75 = arith.subf %get3A_68, %get3A_62 : vector<1x512xf32>
    %sub3A_76 = arith.subf %get3A_71, %get3A_65 : vector<1x512xf32>
    %mul3A_77 = arith.mulf %sub3A_75, %sub3A_76 : vector<1x512xf32>
    %max3A_78 = vector.broadcast %slice3A : vector<512x1xf32> to vector<512x512xf32>
    %max3A_79 = vector.broadcast %get3A_62 : vector<1x512xf32> to vector<512x512xf32>
    %max3A_80 = arith.maximumf %max3A_78, %max3A_79 : vector<512x512xf32>
    %max3A_81 = vector.broadcast %slice3A_2 : vector<512x1xf32> to vector<512x512xf32>
    %max3A_82 = vector.broadcast %get3A_65 : vector<1x512xf32> to vector<512x512xf32>
    %max3A_83 = arith.maximumf %max3A_81, %max3A_82 : vector<512x512xf32>
    %min3A_84 = vector.broadcast %slice3A_3 : vector<512x1xf32> to vector<512x512xf32>
    %min3A_85 = vector.broadcast %get3A_68 : vector<1x512xf32> to vector<512x512xf32>
    %min3A_86 = arith.minimumf %min3A_84, %min3A_85 : vector<512x512xf32>
    %min3A_87 = vector.broadcast %slice3A_4 : vector<512x1xf32> to vector<512x512xf32>
    %min3A_88 = vector.broadcast %get3A_71 : vector<1x512xf32> to vector<512x512xf32>
    %min3A_89 = arith.minimumf %min3A_87, %min3A_88 : vector<512x512xf32>
    %sub3A_90 = arith.subf %min3A_86, %max3A_80 : vector<512x512xf32>
    %max3A_91 = arith.constant 0.000000e+00 : f32
    %max3A_92 = vector.broadcast %max3A_91 : f32 to vector<512x512xf32>
    %max3A_93 = arith.maximumf %sub3A_90, %max3A_92 : vector<512x512xf32>
    %sub3A_94 = arith.subf %min3A_89, %max3A_83 : vector<512x512xf32>
    %max3A_95 = arith.constant 0.000000e+00 : f32
    %max3A_96 = vector.broadcast %max3A_95 : f32 to vector<512x512xf32>
    %max3A_97 = arith.maximumf %sub3A_94, %max3A_96 : vector<512x512xf32>
    %mul3A_98 = arith.mulf %max3A_93, %max3A_97 : vector<512x512xf32>
    %add3A_99 = vector.broadcast %mul3A : vector<512x1xf32> to vector<512x512xf32>
    %add3A_100 = vector.broadcast %mul3A_77 : vector<1x512xf32> to vector<512x512xf32>
    %add3A_101 = arith.addf %add3A_99, %add3A_100 : vector<512x512xf32>
    %sub3A_102 = arith.subf %add3A_101, %mul3A_98 : vector<512x512xf32>
    %div3A_103 = arith.divf %mul3A_98, %sub3A_102 : vector<512x512xf32>
    %gt3A_104 = vector.broadcast %get3A_74 : vector<1x512xf32> to vector<512x512xf32>
    %gt3A_105 = vector.broadcast %slice3A_5 : vector<512x1xf32> to vector<512x512xf32>
    %gt3A_106 = arith.cmpf ogt, %gt3A_104, %gt3A_105 : vector<512x512xf32>
    %mul3A_107 = arith.mulf %div3A_103, %div3A_103 : vector<512x512xf32>
    %jit3A_108 = arith.constant 0.000000e+00 : f32
    %broadcast_in_dim3A_109 = vector.broadcast %jit3A_108 : f32 to vector<512x512xf32>
    %select_n3A_110 = arith.select %gt3A_106, %mul3A_107, %broadcast_in_dim3A_109 : vector<512x512xi1>, vector<512x512xf32>
    %reduce_sum3A_111 = arith.constant dense<0.000000e+00> : vector<512xf32>
    %reduce_sum3A_112 = vector.multi_reduction <add>, %select_n3A_110, %reduce_sum3A_111 [1] : vector<512x512xf32> to vector<512xf32>
    %broadcast_in_dim3A_113 = vector.shape_cast %reduce_sum3A_112 : vector<512xf32> to vector<512x1xf32>
    %add3A_114 = arith.addf %add3A_56, %broadcast_in_dim3A_113 : vector<512x1xf32>
    %scan3A_115 = arith.constant 2 : i32
    %mul3A_116 = arith.constant 512 : i32
    %mul3A_117 = arith.muli %scan3A_115, %mul3A_116 : i32
    %get3A_118 = arith.constant 0 : index
    %get3A_119 = arith.index_cast %mul3A_117 : i32 to index
    %get3A_120 = vector.load %arg2[%get3A_118, %get3A_119] : memref<8x5120xf32, #tpu.memory_space<vmem>>, vector<1x512xf32>
    %get3A_121 = arith.constant 1 : index
    %get3A_122 = arith.index_cast %mul3A_117 : i32 to index
    %get3A_123 = vector.load %arg2[%get3A_121, %get3A_122] : memref<8x5120xf32, #tpu.memory_space<vmem>>, vector<1x512xf32>
    %get3A_124 = arith.constant 2 : index
    %get3A_125 = arith.index_cast %mul3A_117 : i32 to index
    %get3A_126 = vector.load %arg2[%get3A_124, %get3A_125] : memref<8x5120xf32, #tpu.memory_space<vmem>>, vector<1x512xf32>
    %get3A_127 = arith.constant 3 : index
    %get3A_128 = arith.index_cast %mul3A_117 : i32 to index
    %get3A_129 = vector.load %arg2[%get3A_127, %get3A_128] : memref<8x5120xf32, #tpu.memory_space<vmem>>, vector<1x512xf32>
    %get3A_130 = arith.constant 4 : index
    %get3A_131 = arith.index_cast %mul3A_117 : i32 to index
    %get3A_132 = vector.load %arg2[%get3A_130, %get3A_131] : memref<8x5120xf32, #tpu.memory_space<vmem>>, vector<1x512xf32>
    %sub3A_133 = arith.subf %get3A_126, %get3A_120 : vector<1x512xf32>
    %sub3A_134 = arith.subf %get3A_129, %get3A_123 : vector<1x512xf32>
    %mul3A_135 = arith.mulf %sub3A_133, %sub3A_134 : vector<1x512xf32>
    %max3A_136 = vector.broadcast %slice3A : vector<512x1xf32> to vector<512x512xf32>
    %max3A_137 = vector.broadcast %get3A_120 : vector<1x512xf32> to vector<512x512xf32>
    %max3A_138 = arith.maximumf %max3A_136, %max3A_137 : vector<512x512xf32>
    %max3A_139 = vector.broadcast %slice3A_2 : vector<512x1xf32> to vector<512x512xf32>
    %max3A_140 = vector.broadcast %get3A_123 : vector<1x512xf32> to vector<512x512xf32>
    %max3A_141 = arith.maximumf %max3A_139, %max3A_140 : vector<512x512xf32>
    %min3A_142 = vector.broadcast %slice3A_3 : vector<512x1xf32> to vector<512x512xf32>
    %min3A_143 = vector.broadcast %get3A_126 : vector<1x512xf32> to vector<512x512xf32>
    %min3A_144 = arith.minimumf %min3A_142, %min3A_143 : vector<512x512xf32>
    %min3A_145 = vector.broadcast %slice3A_4 : vector<512x1xf32> to vector<512x512xf32>
    %min3A_146 = vector.broadcast %get3A_129 : vector<1x512xf32> to vector<512x512xf32>
    %min3A_147 = arith.minimumf %min3A_145, %min3A_146 : vector<512x512xf32>
    %sub3A_148 = arith.subf %min3A_144, %max3A_138 : vector<512x512xf32>
    %max3A_149 = arith.constant 0.000000e+00 : f32
    %max3A_150 = vector.broadcast %max3A_149 : f32 to vector<512x512xf32>
    %max3A_151 = arith.maximumf %sub3A_148, %max3A_150 : vector<512x512xf32>
    %sub3A_152 = arith.subf %min3A_147, %max3A_141 : vector<512x512xf32>
    %max3A_153 = arith.constant 0.000000e+00 : f32
    %max3A_154 = vector.broadcast %max3A_153 : f32 to vector<512x512xf32>
    %max3A_155 = arith.maximumf %sub3A_152, %max3A_154 : vector<512x512xf32>
    %mul3A_156 = arith.mulf %max3A_151, %max3A_155 : vector<512x512xf32>
    %add3A_157 = vector.broadcast %mul3A : vector<512x1xf32> to vector<512x512xf32>
    %add3A_158 = vector.broadcast %mul3A_135 : vector<1x512xf32> to vector<512x512xf32>
    %add3A_159 = arith.addf %add3A_157, %add3A_158 : vector<512x512xf32>
    %sub3A_160 = arith.subf %add3A_159, %mul3A_156 : vector<512x512xf32>
    %div3A_161 = arith.divf %mul3A_156, %sub3A_160 : vector<512x512xf32>
    %gt3A_162 = vector.broadcast %get3A_132 : vector<1x512xf32> to vector<512x512xf32>
    %gt3A_163 = vector.broadcast %slice3A_5 : vector<512x1xf32> to vector<512x512xf32>
    %gt3A_164 = arith.cmpf ogt, %gt3A_162, %gt3A_163 : vector<512x512xf32>
    %mul3A_165 = arith.mulf %div3A_161, %div3A_161 : vector<512x512xf32>
    %jit3A_166 = arith.constant 0.000000e+00 : f32
    %broadcast_in_dim3A_167 = vector.broadcast %jit3A_166 : f32 to vector<512x512xf32>
    %select_n3A_168 = arith.select %gt3A_164, %mul3A_165, %broadcast_in_dim3A_167 : vector<512x512xi1>, vector<512x512xf32>
    %reduce_sum3A_169 = arith.constant dense<0.000000e+00> : vector<512xf32>
    %reduce_sum3A_170 = vector.multi_reduction <add>, %select_n3A_168, %reduce_sum3A_169 [1] : vector<512x512xf32> to vector<512xf32>
    %broadcast_in_dim3A_171 = vector.shape_cast %reduce_sum3A_170 : vector<512xf32> to vector<512x1xf32>
    %add3A_172 = arith.addf %add3A_114, %broadcast_in_dim3A_171 : vector<512x1xf32>
    %scan3A_173 = arith.constant 3 : i32
    %mul3A_174 = arith.constant 512 : i32
    %mul3A_175 = arith.muli %scan3A_173, %mul3A_174 : i32
    %get3A_176 = arith.constant 0 : index
    %get3A_177 = arith.index_cast %mul3A_175 : i32 to index
    %get3A_178 = vector.load %arg2[%get3A_176, %get3A_177] : memref<8x5120xf32, #tpu.memory_space<vmem>>, vector<1x512xf32>
    %get3A_179 = arith.constant 1 : index
    %get3A_180 = arith.index_cast %mul3A_175 : i32 to index
    %get3A_181 = vector.load %arg2[%get3A_179, %get3A_180] : memref<8x5120xf32, #tpu.memory_space<vmem>>, vector<1x512xf32>
    %get3A_182 = arith.constant 2 : index
    %get3A_183 = arith.index_cast %mul3A_175 : i32 to index
    %get3A_184 = vector.load %arg2[%get3A_182, %get3A_183] : memref<8x5120xf32, #tpu.memory_space<vmem>>, vector<1x512xf32>
    %get3A_185 = arith.constant 3 : index
    %get3A_186 = arith.index_cast %mul3A_175 : i32 to index
    %get3A_187 = vector.load %arg2[%get3A_185, %get3A_186] : memref<8x5120xf32, #tpu.memory_space<vmem>>, vector<1x512xf32>
    %get3A_188 = arith.constant 4 : index
    %get3A_189 = arith.index_cast %mul3A_175 : i32 to index
    %get3A_190 = vector.load %arg2[%get3A_188, %get3A_189] : memref<8x5120xf32, #tpu.memory_space<vmem>>, vector<1x512xf32>
    %sub3A_191 = arith.subf %get3A_184, %get3A_178 : vector<1x512xf32>
    %sub3A_192 = arith.subf %get3A_187, %get3A_181 : vector<1x512xf32>
    %mul3A_193 = arith.mulf %sub3A_191, %sub3A_192 : vector<1x512xf32>
    %max3A_194 = vector.broadcast %slice3A : vector<512x1xf32> to vector<512x512xf32>
    %max3A_195 = vector.broadcast %get3A_178 : vector<1x512xf32> to vector<512x512xf32>
    %max3A_196 = arith.maximumf %max3A_194, %max3A_195 : vector<512x512xf32>
    %max3A_197 = vector.broadcast %slice3A_2 : vector<512x1xf32> to vector<512x512xf32>
    %max3A_198 = vector.broadcast %get3A_181 : vector<1x512xf32> to vector<512x512xf32>
    %max3A_199 = arith.maximumf %max3A_197, %max3A_198 : vector<512x512xf32>
    %min3A_200 = vector.broadcast %slice3A_3 : vector<512x1xf32> to vector<512x512xf32>
    %min3A_201 = vector.broadcast %get3A_184 : vector<1x512xf32> to vector<512x512xf32>
    %min3A_202 = arith.minimumf %min3A_200, %min3A_201 : vector<512x512xf32>
    %min3A_203 = vector.broadcast %slice3A_4 : vector<512x1xf32> to vector<512x512xf32>
    %min3A_204 = vector.broadcast %get3A_187 : vector<1x512xf32> to vector<512x512xf32>
    %min3A_205 = arith.minimumf %min3A_203, %min3A_204 : vector<512x512xf32>
    %sub3A_206 = arith.subf %min3A_202, %max3A_196 : vector<512x512xf32>
    %max3A_207 = arith.constant 0.000000e+00 : f32
    %max3A_208 = vector.broadcast %max3A_207 : f32 to vector<512x512xf32>
    %max3A_209 = arith.maximumf %sub3A_206, %max3A_208 : vector<512x512xf32>
    %sub3A_210 = arith.subf %min3A_205, %max3A_199 : vector<512x512xf32>
    %max3A_211 = arith.constant 0.000000e+00 : f32
    %max3A_212 = vector.broadcast %max3A_211 : f32 to vector<512x512xf32>
    %max3A_213 = arith.maximumf %sub3A_210, %max3A_212 : vector<512x512xf32>
    %mul3A_214 = arith.mulf %max3A_209, %max3A_213 : vector<512x512xf32>
    %add3A_215 = vector.broadcast %mul3A : vector<512x1xf32> to vector<512x512xf32>
    %add3A_216 = vector.broadcast %mul3A_193 : vector<1x512xf32> to vector<512x512xf32>
    %add3A_217 = arith.addf %add3A_215, %add3A_216 : vector<512x512xf32>
    %sub3A_218 = arith.subf %add3A_217, %mul3A_214 : vector<512x512xf32>
    %div3A_219 = arith.divf %mul3A_214, %sub3A_218 : vector<512x512xf32>
    %gt3A_220 = vector.broadcast %get3A_190 : vector<1x512xf32> to vector<512x512xf32>
    %gt3A_221 = vector.broadcast %slice3A_5 : vector<512x1xf32> to vector<512x512xf32>
    %gt3A_222 = arith.cmpf ogt, %gt3A_220, %gt3A_221 : vector<512x512xf32>
    %mul3A_223 = arith.mulf %div3A_219, %div3A_219 : vector<512x512xf32>
    %jit3A_224 = arith.constant 0.000000e+00 : f32
    %broadcast_in_dim3A_225 = vector.broadcast %jit3A_224 : f32 to vector<512x512xf32>
    %select_n3A_226 = arith.select %gt3A_222, %mul3A_223, %broadcast_in_dim3A_225 : vector<512x512xi1>, vector<512x512xf32>
    %reduce_sum3A_227 = arith.constant dense<0.000000e+00> : vector<512xf32>
    %reduce_sum3A_228 = vector.multi_reduction <add>, %select_n3A_226, %reduce_sum3A_227 [1] : vector<512x512xf32> to vector<512xf32>
    %broadcast_in_dim3A_229 = vector.shape_cast %reduce_sum3A_228 : vector<512xf32> to vector<512x1xf32>
    %add3A_230 = arith.addf %add3A_172, %broadcast_in_dim3A_229 : vector<512x1xf32>
    %scan3A_231 = arith.constant 4 : i32
    %mul3A_232 = arith.constant 512 : i32
    %mul3A_233 = arith.muli %scan3A_231, %mul3A_232 : i32
    %get3A_234 = arith.constant 0 : index
    %get3A_235 = arith.index_cast %mul3A_233 : i32 to index
    %get3A_236 = vector.load %arg2[%get3A_234, %get3A_235] : memref<8x5120xf32, #tpu.memory_space<vmem>>, vector<1x512xf32>
    %get3A_237 = arith.constant 1 : index
    %get3A_238 = arith.index_cast %mul3A_233 : i32 to index
    %get3A_239 = vector.load %arg2[%get3A_237, %get3A_238] : memref<8x5120xf32, #tpu.memory_space<vmem>>, vector<1x512xf32>
    %get3A_240 = arith.constant 2 : index
    %get3A_241 = arith.index_cast %mul3A_233 : i32 to index
    %get3A_242 = vector.load %arg2[%get3A_240, %get3A_241] : memref<8x5120xf32, #tpu.memory_space<vmem>>, vector<1x512xf32>
    %get3A_243 = arith.constant 3 : index
    %get3A_244 = arith.index_cast %mul3A_233 : i32 to index
    %get3A_245 = vector.load %arg2[%get3A_243, %get3A_244] : memref<8x5120xf32, #tpu.memory_space<vmem>>, vector<1x512xf32>
    %get3A_246 = arith.constant 4 : index
    %get3A_247 = arith.index_cast %mul3A_233 : i32 to index
    %get3A_248 = vector.load %arg2[%get3A_246, %get3A_247] : memref<8x5120xf32, #tpu.memory_space<vmem>>, vector<1x512xf32>
    %sub3A_249 = arith.subf %get3A_242, %get3A_236 : vector<1x512xf32>
    %sub3A_250 = arith.subf %get3A_245, %get3A_239 : vector<1x512xf32>
    %mul3A_251 = arith.mulf %sub3A_249, %sub3A_250 : vector<1x512xf32>
    %max3A_252 = vector.broadcast %slice3A : vector<512x1xf32> to vector<512x512xf32>
    %max3A_253 = vector.broadcast %get3A_236 : vector<1x512xf32> to vector<512x512xf32>
    %max3A_254 = arith.maximumf %max3A_252, %max3A_253 : vector<512x512xf32>
    %max3A_255 = vector.broadcast %slice3A_2 : vector<512x1xf32> to vector<512x512xf32>
    %max3A_256 = vector.broadcast %get3A_239 : vector<1x512xf32> to vector<512x512xf32>
    %max3A_257 = arith.maximumf %max3A_255, %max3A_256 : vector<512x512xf32>
    %min3A_258 = vector.broadcast %slice3A_3 : vector<512x1xf32> to vector<512x512xf32>
    %min3A_259 = vector.broadcast %get3A_242 : vector<1x512xf32> to vector<512x512xf32>
    %min3A_260 = arith.minimumf %min3A_258, %min3A_259 : vector<512x512xf32>
    %min3A_261 = vector.broadcast %slice3A_4 : vector<512x1xf32> to vector<512x512xf32>
    %min3A_262 = vector.broadcast %get3A_245 : vector<1x512xf32> to vector<512x512xf32>
    %min3A_263 = arith.minimumf %min3A_261, %min3A_262 : vector<512x512xf32>
    %sub3A_264 = arith.subf %min3A_260, %max3A_254 : vector<512x512xf32>
    %max3A_265 = arith.constant 0.000000e+00 : f32
    %max3A_266 = vector.broadcast %max3A_265 : f32 to vector<512x512xf32>
    %max3A_267 = arith.maximumf %sub3A_264, %max3A_266 : vector<512x512xf32>
    %sub3A_268 = arith.subf %min3A_263, %max3A_257 : vector<512x512xf32>
    %max3A_269 = arith.constant 0.000000e+00 : f32
    %max3A_270 = vector.broadcast %max3A_269 : f32 to vector<512x512xf32>
    %max3A_271 = arith.maximumf %sub3A_268, %max3A_270 : vector<512x512xf32>
    %mul3A_272 = arith.mulf %max3A_267, %max3A_271 : vector<512x512xf32>
    %add3A_273 = vector.broadcast %mul3A : vector<512x1xf32> to vector<512x512xf32>
    %add3A_274 = vector.broadcast %mul3A_251 : vector<1x512xf32> to vector<512x512xf32>
    %add3A_275 = arith.addf %add3A_273, %add3A_274 : vector<512x512xf32>
    %sub3A_276 = arith.subf %add3A_275, %mul3A_272 : vector<512x512xf32>
    %div3A_277 = arith.divf %mul3A_272, %sub3A_276 : vector<512x512xf32>
    %gt3A_278 = vector.broadcast %get3A_248 : vector<1x512xf32> to vector<512x512xf32>
    %gt3A_279 = vector.broadcast %slice3A_5 : vector<512x1xf32> to vector<512x512xf32>
    %gt3A_280 = arith.cmpf ogt, %gt3A_278, %gt3A_279 : vector<512x512xf32>
    %mul3A_281 = arith.mulf %div3A_277, %div3A_277 : vector<512x512xf32>
    %jit3A_282 = arith.constant 0.000000e+00 : f32
    %broadcast_in_dim3A_283 = vector.broadcast %jit3A_282 : f32 to vector<512x512xf32>
    %select_n3A_284 = arith.select %gt3A_280, %mul3A_281, %broadcast_in_dim3A_283 : vector<512x512xi1>, vector<512x512xf32>
    %reduce_sum3A_285 = arith.constant dense<0.000000e+00> : vector<512xf32>
    %reduce_sum3A_286 = vector.multi_reduction <add>, %select_n3A_284, %reduce_sum3A_285 [1] : vector<512x512xf32> to vector<512xf32>
    %broadcast_in_dim3A_287 = vector.shape_cast %reduce_sum3A_286 : vector<512xf32> to vector<512x1xf32>
    %add3A_288 = arith.addf %add3A_230, %broadcast_in_dim3A_287 : vector<512x1xf32>
    %scan3A_289 = arith.constant 5 : i32
    %mul3A_290 = arith.constant 512 : i32
    %mul3A_291 = arith.muli %scan3A_289, %mul3A_290 : i32
    %get3A_292 = arith.constant 0 : index
    %get3A_293 = arith.index_cast %mul3A_291 : i32 to index
    %get3A_294 = vector.load %arg2[%get3A_292, %get3A_293] : memref<8x5120xf32, #tpu.memory_space<vmem>>, vector<1x512xf32>
    %get3A_295 = arith.constant 1 : index
    %get3A_296 = arith.index_cast %mul3A_291 : i32 to index
    %get3A_297 = vector.load %arg2[%get3A_295, %get3A_296] : memref<8x5120xf32, #tpu.memory_space<vmem>>, vector<1x512xf32>
    %get3A_298 = arith.constant 2 : index
    %get3A_299 = arith.index_cast %mul3A_291 : i32 to index
    %get3A_300 = vector.load %arg2[%get3A_298, %get3A_299] : memref<8x5120xf32, #tpu.memory_space<vmem>>, vector<1x512xf32>
    %get3A_301 = arith.constant 3 : index
    %get3A_302 = arith.index_cast %mul3A_291 : i32 to index
    %get3A_303 = vector.load %arg2[%get3A_301, %get3A_302] : memref<8x5120xf32, #tpu.memory_space<vmem>>, vector<1x512xf32>
    %get3A_304 = arith.constant 4 : index
    %get3A_305 = arith.index_cast %mul3A_291 : i32 to index
    %get3A_306 = vector.load %arg2[%get3A_304, %get3A_305] : memref<8x5120xf32, #tpu.memory_space<vmem>>, vector<1x512xf32>
    %sub3A_307 = arith.subf %get3A_300, %get3A_294 : vector<1x512xf32>
    %sub3A_308 = arith.subf %get3A_303, %get3A_297 : vector<1x512xf32>
    %mul3A_309 = arith.mulf %sub3A_307, %sub3A_308 : vector<1x512xf32>
    %max3A_310 = vector.broadcast %slice3A : vector<512x1xf32> to vector<512x512xf32>
    %max3A_311 = vector.broadcast %get3A_294 : vector<1x512xf32> to vector<512x512xf32>
    %max3A_312 = arith.maximumf %max3A_310, %max3A_311 : vector<512x512xf32>
    %max3A_313 = vector.broadcast %slice3A_2 : vector<512x1xf32> to vector<512x512xf32>
    %max3A_314 = vector.broadcast %get3A_297 : vector<1x512xf32> to vector<512x512xf32>
    %max3A_315 = arith.maximumf %max3A_313, %max3A_314 : vector<512x512xf32>
    %min3A_316 = vector.broadcast %slice3A_3 : vector<512x1xf32> to vector<512x512xf32>
    %min3A_317 = vector.broadcast %get3A_300 : vector<1x512xf32> to vector<512x512xf32>
    %min3A_318 = arith.minimumf %min3A_316, %min3A_317 : vector<512x512xf32>
    %min3A_319 = vector.broadcast %slice3A_4 : vector<512x1xf32> to vector<512x512xf32>
    %min3A_320 = vector.broadcast %get3A_303 : vector<1x512xf32> to vector<512x512xf32>
    %min3A_321 = arith.minimumf %min3A_319, %min3A_320 : vector<512x512xf32>
    %sub3A_322 = arith.subf %min3A_318, %max3A_312 : vector<512x512xf32>
    %max3A_323 = arith.constant 0.000000e+00 : f32
    %max3A_324 = vector.broadcast %max3A_323 : f32 to vector<512x512xf32>
    %max3A_325 = arith.maximumf %sub3A_322, %max3A_324 : vector<512x512xf32>
    %sub3A_326 = arith.subf %min3A_321, %max3A_315 : vector<512x512xf32>
    %max3A_327 = arith.constant 0.000000e+00 : f32
    %max3A_328 = vector.broadcast %max3A_327 : f32 to vector<512x512xf32>
    %max3A_329 = arith.maximumf %sub3A_326, %max3A_328 : vector<512x512xf32>
    %mul3A_330 = arith.mulf %max3A_325, %max3A_329 : vector<512x512xf32>
    %add3A_331 = vector.broadcast %mul3A : vector<512x1xf32> to vector<512x512xf32>
    %add3A_332 = vector.broadcast %mul3A_309 : vector<1x512xf32> to vector<512x512xf32>
    %add3A_333 = arith.addf %add3A_331, %add3A_332 : vector<512x512xf32>
    %sub3A_334 = arith.subf %add3A_333, %mul3A_330 : vector<512x512xf32>
    %div3A_335 = arith.divf %mul3A_330, %sub3A_334 : vector<512x512xf32>
    %gt3A_336 = vector.broadcast %get3A_306 : vector<1x512xf32> to vector<512x512xf32>
    %gt3A_337 = vector.broadcast %slice3A_5 : vector<512x1xf32> to vector<512x512xf32>
    %gt3A_338 = arith.cmpf ogt, %gt3A_336, %gt3A_337 : vector<512x512xf32>
    %mul3A_339 = arith.mulf %div3A_335, %div3A_335 : vector<512x512xf32>
    %jit3A_340 = arith.constant 0.000000e+00 : f32
    %broadcast_in_dim3A_341 = vector.broadcast %jit3A_340 : f32 to vector<512x512xf32>
    %select_n3A_342 = arith.select %gt3A_338, %mul3A_339, %broadcast_in_dim3A_341 : vector<512x512xi1>, vector<512x512xf32>
    %reduce_sum3A_343 = arith.constant dense<0.000000e+00> : vector<512xf32>
    %reduce_sum3A_344 = vector.multi_reduction <add>, %select_n3A_342, %reduce_sum3A_343 [1] : vector<512x512xf32> to vector<512xf32>
    %broadcast_in_dim3A_345 = vector.shape_cast %reduce_sum3A_344 : vector<512xf32> to vector<512x1xf32>
    %add3A_346 = arith.addf %add3A_288, %broadcast_in_dim3A_345 : vector<512x1xf32>
    %scan3A_347 = arith.constant 6 : i32
    %mul3A_348 = arith.constant 512 : i32
    %mul3A_349 = arith.muli %scan3A_347, %mul3A_348 : i32
    %get3A_350 = arith.constant 0 : index
    %get3A_351 = arith.index_cast %mul3A_349 : i32 to index
    %get3A_352 = vector.load %arg2[%get3A_350, %get3A_351] : memref<8x5120xf32, #tpu.memory_space<vmem>>, vector<1x512xf32>
    %get3A_353 = arith.constant 1 : index
    %get3A_354 = arith.index_cast %mul3A_349 : i32 to index
    %get3A_355 = vector.load %arg2[%get3A_353, %get3A_354] : memref<8x5120xf32, #tpu.memory_space<vmem>>, vector<1x512xf32>
    %get3A_356 = arith.constant 2 : index
    %get3A_357 = arith.index_cast %mul3A_349 : i32 to index
    %get3A_358 = vector.load %arg2[%get3A_356, %get3A_357] : memref<8x5120xf32, #tpu.memory_space<vmem>>, vector<1x512xf32>
    %get3A_359 = arith.constant 3 : index
    %get3A_360 = arith.index_cast %mul3A_349 : i32 to index
    %get3A_361 = vector.load %arg2[%get3A_359, %get3A_360] : memref<8x5120xf32, #tpu.memory_space<vmem>>, vector<1x512xf32>
    %get3A_362 = arith.constant 4 : index
    %get3A_363 = arith.index_cast %mul3A_349 : i32 to index
    %get3A_364 = vector.load %arg2[%get3A_362, %get3A_363] : memref<8x5120xf32, #tpu.memory_space<vmem>>, vector<1x512xf32>
    %sub3A_365 = arith.subf %get3A_358, %get3A_352 : vector<1x512xf32>
    %sub3A_366 = arith.subf %get3A_361, %get3A_355 : vector<1x512xf32>
    %mul3A_367 = arith.mulf %sub3A_365, %sub3A_366 : vector<1x512xf32>
    %max3A_368 = vector.broadcast %slice3A : vector<512x1xf32> to vector<512x512xf32>
    %max3A_369 = vector.broadcast %get3A_352 : vector<1x512xf32> to vector<512x512xf32>
    %max3A_370 = arith.maximumf %max3A_368, %max3A_369 : vector<512x512xf32>
    %max3A_371 = vector.broadcast %slice3A_2 : vector<512x1xf32> to vector<512x512xf32>
    %max3A_372 = vector.broadcast %get3A_355 : vector<1x512xf32> to vector<512x512xf32>
    %max3A_373 = arith.maximumf %max3A_371, %max3A_372 : vector<512x512xf32>
    %min3A_374 = vector.broadcast %slice3A_3 : vector<512x1xf32> to vector<512x512xf32>
    %min3A_375 = vector.broadcast %get3A_358 : vector<1x512xf32> to vector<512x512xf32>
    %min3A_376 = arith.minimumf %min3A_374, %min3A_375 : vector<512x512xf32>
    %min3A_377 = vector.broadcast %slice3A_4 : vector<512x1xf32> to vector<512x512xf32>
    %min3A_378 = vector.broadcast %get3A_361 : vector<1x512xf32> to vector<512x512xf32>
    %min3A_379 = arith.minimumf %min3A_377, %min3A_378 : vector<512x512xf32>
    %sub3A_380 = arith.subf %min3A_376, %max3A_370 : vector<512x512xf32>
    %max3A_381 = arith.constant 0.000000e+00 : f32
    %max3A_382 = vector.broadcast %max3A_381 : f32 to vector<512x512xf32>
    %max3A_383 = arith.maximumf %sub3A_380, %max3A_382 : vector<512x512xf32>
    %sub3A_384 = arith.subf %min3A_379, %max3A_373 : vector<512x512xf32>
    %max3A_385 = arith.constant 0.000000e+00 : f32
    %max3A_386 = vector.broadcast %max3A_385 : f32 to vector<512x512xf32>
    %max3A_387 = arith.maximumf %sub3A_384, %max3A_386 : vector<512x512xf32>
    %mul3A_388 = arith.mulf %max3A_383, %max3A_387 : vector<512x512xf32>
    %add3A_389 = vector.broadcast %mul3A : vector<512x1xf32> to vector<512x512xf32>
    %add3A_390 = vector.broadcast %mul3A_367 : vector<1x512xf32> to vector<512x512xf32>
    %add3A_391 = arith.addf %add3A_389, %add3A_390 : vector<512x512xf32>
    %sub3A_392 = arith.subf %add3A_391, %mul3A_388 : vector<512x512xf32>
    %div3A_393 = arith.divf %mul3A_388, %sub3A_392 : vector<512x512xf32>
    %gt3A_394 = vector.broadcast %get3A_364 : vector<1x512xf32> to vector<512x512xf32>
    %gt3A_395 = vector.broadcast %slice3A_5 : vector<512x1xf32> to vector<512x512xf32>
    %gt3A_396 = arith.cmpf ogt, %gt3A_394, %gt3A_395 : vector<512x512xf32>
    %mul3A_397 = arith.mulf %div3A_393, %div3A_393 : vector<512x512xf32>
    %jit3A_398 = arith.constant 0.000000e+00 : f32
    %broadcast_in_dim3A_399 = vector.broadcast %jit3A_398 : f32 to vector<512x512xf32>
    %select_n3A_400 = arith.select %gt3A_396, %mul3A_397, %broadcast_in_dim3A_399 : vector<512x512xi1>, vector<512x512xf32>
    %reduce_sum3A_401 = arith.constant dense<0.000000e+00> : vector<512xf32>
    %reduce_sum3A_402 = vector.multi_reduction <add>, %select_n3A_400, %reduce_sum3A_401 [1] : vector<512x512xf32> to vector<512xf32>
    %broadcast_in_dim3A_403 = vector.shape_cast %reduce_sum3A_402 : vector<512xf32> to vector<512x1xf32>
    %add3A_404 = arith.addf %add3A_346, %broadcast_in_dim3A_403 : vector<512x1xf32>
    %scan3A_405 = arith.constant 7 : i32
    %mul3A_406 = arith.constant 512 : i32
    %mul3A_407 = arith.muli %scan3A_405, %mul3A_406 : i32
    %get3A_408 = arith.constant 0 : index
    %get3A_409 = arith.index_cast %mul3A_407 : i32 to index
    %get3A_410 = vector.load %arg2[%get3A_408, %get3A_409] : memref<8x5120xf32, #tpu.memory_space<vmem>>, vector<1x512xf32>
    %get3A_411 = arith.constant 1 : index
    %get3A_412 = arith.index_cast %mul3A_407 : i32 to index
    %get3A_413 = vector.load %arg2[%get3A_411, %get3A_412] : memref<8x5120xf32, #tpu.memory_space<vmem>>, vector<1x512xf32>
    %get3A_414 = arith.constant 2 : index
    %get3A_415 = arith.index_cast %mul3A_407 : i32 to index
    %get3A_416 = vector.load %arg2[%get3A_414, %get3A_415] : memref<8x5120xf32, #tpu.memory_space<vmem>>, vector<1x512xf32>
    %get3A_417 = arith.constant 3 : index
    %get3A_418 = arith.index_cast %mul3A_407 : i32 to index
    %get3A_419 = vector.load %arg2[%get3A_417, %get3A_418] : memref<8x5120xf32, #tpu.memory_space<vmem>>, vector<1x512xf32>
    %get3A_420 = arith.constant 4 : index
    %get3A_421 = arith.index_cast %mul3A_407 : i32 to index
    %get3A_422 = vector.load %arg2[%get3A_420, %get3A_421] : memref<8x5120xf32, #tpu.memory_space<vmem>>, vector<1x512xf32>
    %sub3A_423 = arith.subf %get3A_416, %get3A_410 : vector<1x512xf32>
    %sub3A_424 = arith.subf %get3A_419, %get3A_413 : vector<1x512xf32>
    %mul3A_425 = arith.mulf %sub3A_423, %sub3A_424 : vector<1x512xf32>
    %max3A_426 = vector.broadcast %slice3A : vector<512x1xf32> to vector<512x512xf32>
    %max3A_427 = vector.broadcast %get3A_410 : vector<1x512xf32> to vector<512x512xf32>
    %max3A_428 = arith.maximumf %max3A_426, %max3A_427 : vector<512x512xf32>
    %max3A_429 = vector.broadcast %slice3A_2 : vector<512x1xf32> to vector<512x512xf32>
    %max3A_430 = vector.broadcast %get3A_413 : vector<1x512xf32> to vector<512x512xf32>
    %max3A_431 = arith.maximumf %max3A_429, %max3A_430 : vector<512x512xf32>
    %min3A_432 = vector.broadcast %slice3A_3 : vector<512x1xf32> to vector<512x512xf32>
    %min3A_433 = vector.broadcast %get3A_416 : vector<1x512xf32> to vector<512x512xf32>
    %min3A_434 = arith.minimumf %min3A_432, %min3A_433 : vector<512x512xf32>
    %min3A_435 = vector.broadcast %slice3A_4 : vector<512x1xf32> to vector<512x512xf32>
    %min3A_436 = vector.broadcast %get3A_419 : vector<1x512xf32> to vector<512x512xf32>
    %min3A_437 = arith.minimumf %min3A_435, %min3A_436 : vector<512x512xf32>
    %sub3A_438 = arith.subf %min3A_434, %max3A_428 : vector<512x512xf32>
    %max3A_439 = arith.constant 0.000000e+00 : f32
    %max3A_440 = vector.broadcast %max3A_439 : f32 to vector<512x512xf32>
    %max3A_441 = arith.maximumf %sub3A_438, %max3A_440 : vector<512x512xf32>
    %sub3A_442 = arith.subf %min3A_437, %max3A_431 : vector<512x512xf32>
    %max3A_443 = arith.constant 0.000000e+00 : f32
    %max3A_444 = vector.broadcast %max3A_443 : f32 to vector<512x512xf32>
    %max3A_445 = arith.maximumf %sub3A_442, %max3A_444 : vector<512x512xf32>
    %mul3A_446 = arith.mulf %max3A_441, %max3A_445 : vector<512x512xf32>
    %add3A_447 = vector.broadcast %mul3A : vector<512x1xf32> to vector<512x512xf32>
    %add3A_448 = vector.broadcast %mul3A_425 : vector<1x512xf32> to vector<512x512xf32>
    %add3A_449 = arith.addf %add3A_447, %add3A_448 : vector<512x512xf32>
    %sub3A_450 = arith.subf %add3A_449, %mul3A_446 : vector<512x512xf32>
    %div3A_451 = arith.divf %mul3A_446, %sub3A_450 : vector<512x512xf32>
    %gt3A_452 = vector.broadcast %get3A_422 : vector<1x512xf32> to vector<512x512xf32>
    %gt3A_453 = vector.broadcast %slice3A_5 : vector<512x1xf32> to vector<512x512xf32>
    %gt3A_454 = arith.cmpf ogt, %gt3A_452, %gt3A_453 : vector<512x512xf32>
    %mul3A_455 = arith.mulf %div3A_451, %div3A_451 : vector<512x512xf32>
    %jit3A_456 = arith.constant 0.000000e+00 : f32
    %broadcast_in_dim3A_457 = vector.broadcast %jit3A_456 : f32 to vector<512x512xf32>
    %select_n3A_458 = arith.select %gt3A_454, %mul3A_455, %broadcast_in_dim3A_457 : vector<512x512xi1>, vector<512x512xf32>
    %reduce_sum3A_459 = arith.constant dense<0.000000e+00> : vector<512xf32>
    %reduce_sum3A_460 = vector.multi_reduction <add>, %select_n3A_458, %reduce_sum3A_459 [1] : vector<512x512xf32> to vector<512xf32>
    %broadcast_in_dim3A_461 = vector.shape_cast %reduce_sum3A_460 : vector<512xf32> to vector<512x1xf32>
    %add3A_462 = arith.addf %add3A_404, %broadcast_in_dim3A_461 : vector<512x1xf32>
    %scan3A_463 = arith.constant 8 : i32
    %mul3A_464 = arith.constant 512 : i32
    %mul3A_465 = arith.muli %scan3A_463, %mul3A_464 : i32
    %get3A_466 = arith.constant 0 : index
    %get3A_467 = arith.index_cast %mul3A_465 : i32 to index
    %get3A_468 = vector.load %arg2[%get3A_466, %get3A_467] : memref<8x5120xf32, #tpu.memory_space<vmem>>, vector<1x512xf32>
    %get3A_469 = arith.constant 1 : index
    %get3A_470 = arith.index_cast %mul3A_465 : i32 to index
    %get3A_471 = vector.load %arg2[%get3A_469, %get3A_470] : memref<8x5120xf32, #tpu.memory_space<vmem>>, vector<1x512xf32>
    %get3A_472 = arith.constant 2 : index
    %get3A_473 = arith.index_cast %mul3A_465 : i32 to index
    %get3A_474 = vector.load %arg2[%get3A_472, %get3A_473] : memref<8x5120xf32, #tpu.memory_space<vmem>>, vector<1x512xf32>
    %get3A_475 = arith.constant 3 : index
    %get3A_476 = arith.index_cast %mul3A_465 : i32 to index
    %get3A_477 = vector.load %arg2[%get3A_475, %get3A_476] : memref<8x5120xf32, #tpu.memory_space<vmem>>, vector<1x512xf32>
    %get3A_478 = arith.constant 4 : index
    %get3A_479 = arith.index_cast %mul3A_465 : i32 to index
    %get3A_480 = vector.load %arg2[%get3A_478, %get3A_479] : memref<8x5120xf32, #tpu.memory_space<vmem>>, vector<1x512xf32>
    %sub3A_481 = arith.subf %get3A_474, %get3A_468 : vector<1x512xf32>
    %sub3A_482 = arith.subf %get3A_477, %get3A_471 : vector<1x512xf32>
    %mul3A_483 = arith.mulf %sub3A_481, %sub3A_482 : vector<1x512xf32>
    %max3A_484 = vector.broadcast %slice3A : vector<512x1xf32> to vector<512x512xf32>
    %max3A_485 = vector.broadcast %get3A_468 : vector<1x512xf32> to vector<512x512xf32>
    %max3A_486 = arith.maximumf %max3A_484, %max3A_485 : vector<512x512xf32>
    %max3A_487 = vector.broadcast %slice3A_2 : vector<512x1xf32> to vector<512x512xf32>
    %max3A_488 = vector.broadcast %get3A_471 : vector<1x512xf32> to vector<512x512xf32>
    %max3A_489 = arith.maximumf %max3A_487, %max3A_488 : vector<512x512xf32>
    %min3A_490 = vector.broadcast %slice3A_3 : vector<512x1xf32> to vector<512x512xf32>
    %min3A_491 = vector.broadcast %get3A_474 : vector<1x512xf32> to vector<512x512xf32>
    %min3A_492 = arith.minimumf %min3A_490, %min3A_491 : vector<512x512xf32>
    %min3A_493 = vector.broadcast %slice3A_4 : vector<512x1xf32> to vector<512x512xf32>
    %min3A_494 = vector.broadcast %get3A_477 : vector<1x512xf32> to vector<512x512xf32>
    %min3A_495 = arith.minimumf %min3A_493, %min3A_494 : vector<512x512xf32>
    %sub3A_496 = arith.subf %min3A_492, %max3A_486 : vector<512x512xf32>
    %max3A_497 = arith.constant 0.000000e+00 : f32
    %max3A_498 = vector.broadcast %max3A_497 : f32 to vector<512x512xf32>
    %max3A_499 = arith.maximumf %sub3A_496, %max3A_498 : vector<512x512xf32>
    %sub3A_500 = arith.subf %min3A_495, %max3A_489 : vector<512x512xf32>
    %max3A_501 = arith.constant 0.000000e+00 : f32
    %max3A_502 = vector.broadcast %max3A_501 : f32 to vector<512x512xf32>
    %max3A_503 = arith.maximumf %sub3A_500, %max3A_502 : vector<512x512xf32>
    %mul3A_504 = arith.mulf %max3A_499, %max3A_503 : vector<512x512xf32>
    %add3A_505 = vector.broadcast %mul3A : vector<512x1xf32> to vector<512x512xf32>
    %add3A_506 = vector.broadcast %mul3A_483 : vector<1x512xf32> to vector<512x512xf32>
    %add3A_507 = arith.addf %add3A_505, %add3A_506 : vector<512x512xf32>
    %sub3A_508 = arith.subf %add3A_507, %mul3A_504 : vector<512x512xf32>
    %div3A_509 = arith.divf %mul3A_504, %sub3A_508 : vector<512x512xf32>
    %gt3A_510 = vector.broadcast %get3A_480 : vector<1x512xf32> to vector<512x512xf32>
    %gt3A_511 = vector.broadcast %slice3A_5 : vector<512x1xf32> to vector<512x512xf32>
    %gt3A_512 = arith.cmpf ogt, %gt3A_510, %gt3A_511 : vector<512x512xf32>
    %mul3A_513 = arith.mulf %div3A_509, %div3A_509 : vector<512x512xf32>
    %jit3A_514 = arith.constant 0.000000e+00 : f32
    %broadcast_in_dim3A_515 = vector.broadcast %jit3A_514 : f32 to vector<512x512xf32>
    %select_n3A_516 = arith.select %gt3A_512, %mul3A_513, %broadcast_in_dim3A_515 : vector<512x512xi1>, vector<512x512xf32>
    %reduce_sum3A_517 = arith.constant dense<0.000000e+00> : vector<512xf32>
    %reduce_sum3A_518 = vector.multi_reduction <add>, %select_n3A_516, %reduce_sum3A_517 [1] : vector<512x512xf32> to vector<512xf32>
    %broadcast_in_dim3A_519 = vector.shape_cast %reduce_sum3A_518 : vector<512xf32> to vector<512x1xf32>
    %add3A_520 = arith.addf %add3A_462, %broadcast_in_dim3A_519 : vector<512x1xf32>
    %scan3A_521 = arith.constant 9 : i32
    %mul3A_522 = arith.constant 512 : i32
    %mul3A_523 = arith.muli %scan3A_521, %mul3A_522 : i32
    %get3A_524 = arith.constant 0 : index
    %get3A_525 = arith.index_cast %mul3A_523 : i32 to index
    %get3A_526 = vector.load %arg2[%get3A_524, %get3A_525] : memref<8x5120xf32, #tpu.memory_space<vmem>>, vector<1x512xf32>
    %get3A_527 = arith.constant 1 : index
    %get3A_528 = arith.index_cast %mul3A_523 : i32 to index
    %get3A_529 = vector.load %arg2[%get3A_527, %get3A_528] : memref<8x5120xf32, #tpu.memory_space<vmem>>, vector<1x512xf32>
    %get3A_530 = arith.constant 2 : index
    %get3A_531 = arith.index_cast %mul3A_523 : i32 to index
    %get3A_532 = vector.load %arg2[%get3A_530, %get3A_531] : memref<8x5120xf32, #tpu.memory_space<vmem>>, vector<1x512xf32>
    %get3A_533 = arith.constant 3 : index
    %get3A_534 = arith.index_cast %mul3A_523 : i32 to index
    %get3A_535 = vector.load %arg2[%get3A_533, %get3A_534] : memref<8x5120xf32, #tpu.memory_space<vmem>>, vector<1x512xf32>
    %get3A_536 = arith.constant 4 : index
    %get3A_537 = arith.index_cast %mul3A_523 : i32 to index
    %get3A_538 = vector.load %arg2[%get3A_536, %get3A_537] : memref<8x5120xf32, #tpu.memory_space<vmem>>, vector<1x512xf32>
    %sub3A_539 = arith.subf %get3A_532, %get3A_526 : vector<1x512xf32>
    %sub3A_540 = arith.subf %get3A_535, %get3A_529 : vector<1x512xf32>
    %mul3A_541 = arith.mulf %sub3A_539, %sub3A_540 : vector<1x512xf32>
    %max3A_542 = vector.broadcast %slice3A : vector<512x1xf32> to vector<512x512xf32>
    %max3A_543 = vector.broadcast %get3A_526 : vector<1x512xf32> to vector<512x512xf32>
    %max3A_544 = arith.maximumf %max3A_542, %max3A_543 : vector<512x512xf32>
    %max3A_545 = vector.broadcast %slice3A_2 : vector<512x1xf32> to vector<512x512xf32>
    %max3A_546 = vector.broadcast %get3A_529 : vector<1x512xf32> to vector<512x512xf32>
    %max3A_547 = arith.maximumf %max3A_545, %max3A_546 : vector<512x512xf32>
    %min3A_548 = vector.broadcast %slice3A_3 : vector<512x1xf32> to vector<512x512xf32>
    %min3A_549 = vector.broadcast %get3A_532 : vector<1x512xf32> to vector<512x512xf32>
    %min3A_550 = arith.minimumf %min3A_548, %min3A_549 : vector<512x512xf32>
    %min3A_551 = vector.broadcast %slice3A_4 : vector<512x1xf32> to vector<512x512xf32>
    %min3A_552 = vector.broadcast %get3A_535 : vector<1x512xf32> to vector<512x512xf32>
    %min3A_553 = arith.minimumf %min3A_551, %min3A_552 : vector<512x512xf32>
    %sub3A_554 = arith.subf %min3A_550, %max3A_544 : vector<512x512xf32>
    %max3A_555 = arith.constant 0.000000e+00 : f32
    %max3A_556 = vector.broadcast %max3A_555 : f32 to vector<512x512xf32>
    %max3A_557 = arith.maximumf %sub3A_554, %max3A_556 : vector<512x512xf32>
    %sub3A_558 = arith.subf %min3A_553, %max3A_547 : vector<512x512xf32>
    %max3A_559 = arith.constant 0.000000e+00 : f32
    %max3A_560 = vector.broadcast %max3A_559 : f32 to vector<512x512xf32>
    %max3A_561 = arith.maximumf %sub3A_558, %max3A_560 : vector<512x512xf32>
    %mul3A_562 = arith.mulf %max3A_557, %max3A_561 : vector<512x512xf32>
    %add3A_563 = vector.broadcast %mul3A : vector<512x1xf32> to vector<512x512xf32>
    %add3A_564 = vector.broadcast %mul3A_541 : vector<1x512xf32> to vector<512x512xf32>
    %add3A_565 = arith.addf %add3A_563, %add3A_564 : vector<512x512xf32>
    %sub3A_566 = arith.subf %add3A_565, %mul3A_562 : vector<512x512xf32>
    %div3A_567 = arith.divf %mul3A_562, %sub3A_566 : vector<512x512xf32>
    %gt3A_568 = vector.broadcast %get3A_538 : vector<1x512xf32> to vector<512x512xf32>
    %gt3A_569 = vector.broadcast %slice3A_5 : vector<512x1xf32> to vector<512x512xf32>
    %gt3A_570 = arith.cmpf ogt, %gt3A_568, %gt3A_569 : vector<512x512xf32>
    %mul3A_571 = arith.mulf %div3A_567, %div3A_567 : vector<512x512xf32>
    %jit3A_572 = arith.constant 0.000000e+00 : f32
    %broadcast_in_dim3A_573 = vector.broadcast %jit3A_572 : f32 to vector<512x512xf32>
    %select_n3A_574 = arith.select %gt3A_570, %mul3A_571, %broadcast_in_dim3A_573 : vector<512x512xi1>, vector<512x512xf32>
    %reduce_sum3A_575 = arith.constant dense<0.000000e+00> : vector<512xf32>
    %reduce_sum3A_576 = vector.multi_reduction <add>, %select_n3A_574, %reduce_sum3A_575 [1] : vector<512x512xf32> to vector<512xf32>
    %broadcast_in_dim3A_577 = vector.shape_cast %reduce_sum3A_576 : vector<512xf32> to vector<512x1xf32>
    %add3A_578 = arith.addf %add3A_520, %broadcast_in_dim3A_577 : vector<512x1xf32>
    %scan3A_579 = arith.constant 10 : i32
    %mul3A_580 = arith.constant -2.000000e+00 : f32
    %mul3A_581 = vector.broadcast %mul3A_580 : f32 to vector<512x1xf32>
    %mul3A_582 = arith.mulf %add3A_578, %mul3A_581 : vector<512x1xf32>
    %exp3A = math.exp %mul3A_582 : vector<512x1xf32>
    %mul3A_583 = arith.mulf %slice3A_5, %exp3A : vector<512x1xf32>
    %swap3A = arith.constant 0 : index
    %swap3A_584 = arith.constant 0 : index
    %swap3A_585 = vector.load %arg3[%swap3A, %swap3A_584] : memref<512x1xf32, #tpu.memory_space<vmem>>, vector<512x1xf32>
    tpu.vector_store %arg3[%swap3A, %swap3A_584], %mul3A_583 {strides = array<i32>} : memref<512x1xf32, #tpu.memory_space<vmem>>, vector<512x1xf32>,
    return
  }
  func.func @transform_0(%arg0: i32) -> (i32, i32) {
    %add3A = arith.constant 1 : i32
    %add3A_0 = arith.addi %arg0, %add3A : i32
    %c0_i32 = arith.constant 0 : i32
    %c0_i32_1 = arith.constant 0 : i32
    return %add3A_0, %c0_i32 : i32, i32
  }
  func.func @transform_1(%arg0: i32) -> (i32, i32) {
    %c0_i32 = arith.constant 0 : i32
    %c0_i32_0 = arith.constant 0 : i32
    %c0_i32_1 = arith.constant 0 : i32
    return %c0_i32, %c0_i32_0 : i32, i32
  }
  func.func @transform_2(%arg0: i32) -> (i32, i32) {
    %c0_i32 = arith.constant 0 : i32
    %c0_i32_0 = arith.constant 0 : i32
    return %arg0, %c0_i32 : i32, i32
  }
}

</mosaic_0001>

<sc_bundles>
// kernel: kernel.4.cloned.1.call-start
scs
__scs_entry_jumppad:
0x0: {  	(pc) =	sbr.rel $0x88, $3  }
0x1: {  	(tag) =	ssettag $0x0;
	lr =	simm.s32 $0x1  }
0x2: {  	[smem:$0x3F9F] =	sst lr;
	_ =	strace $0xD0000000  }
0x3: {  	_ = 	snop  }
0x4: {  	_ = 	snop  }
0x5: {  	_ = 	snop  }
0x6: {  	_ = 	snop  }
0x7: {  	_ = 	snop  }
__scs_overlays_trampoline_lowered:
0x8: {  	[smem:$0x3FAE] =	sst s0  }
0x9: {  	[smem:$0x3FAF] =	sst s1  }
0xa: {  	[smem:$0x3FB0] =	sst s2  }
0xb: {  	[smem:$0x3FB1] =	sst s3  }
0xc: {  	[smem:$0x3FB2] =	sst s4  }
0xd: {  	[smem:$0x3FB3] =	sst s5  }
0xe: {  	[smem:$0x3FB4] =	sst s6  }
0xf: {  	[smem:$0x3FB5] =	sst s7  }
0x10: {  	[smem:$0x3FB6] =	sst s8  }
0x11: {  	[smem:$0x3FB7] =	sst s9;
	s0 =	simm.s32 @!p0 $0x0  }
0x12: {  	s1 =	sld [smem:$0x3F9D];
	s0 =	simm.s32 @p0 $0x1  }
0x13: {  	[smem:$0x3FB8] =	sst s0;
	s0 =	simm.s32 @!p1 $0x0  }
0x14: {  	s2 =	sld [smem:$0x3F9C];
	s0 =	simm.s32 @p1 $0x1  }
0x15: {  	[smem:$0x3FB9] =	sst s0;
	s0 =	simm.s32 @!p2 $0x0  }
0x16: {  	s3 =	sld [smem:$0x3FDB];
	s0 =	simm.s32 @p2 $0x1  }
0x17: {  	s4 =	simm.s32 $0x1BF5;
	[smem:$0x3FBB] =	sst s0  }
0x18: {  	s0 =	sld [smem:$0x3F9E];
	_ =	swait.ge [sflag:s4], $0x0  }
0x19: {  	s7 =	sld [smem:$0x3F9F]  }
0x1a: {  	s8 =	sadd.s32 $0xFFFFE003, lr  }
0x1b: {  	s9 =	sadd.s32 $0xFFFFFEF7, lr;
	s5 =	simm.s32 $0xFFFFFFFF;
	p2 =	slt.u32 s8, $0xFFFFF086  }
0x1c: {  	p1 =	slt.u32 s9, $0xF7A;
	s5 =	simm.s32 @!p2 $0x0  }
0x1d: {  	s5 =	simm.s32 @p1 $0x1;
	p0 =	seq.s32 s7, s2  }
0x1e: {  	s7 =	smul.u32 @!p0 $0xF7A, s2;
	p2 =	seq.s32 @!p0 s5, $0x0  }
0x1f: {  	s9 =	smul.u32 $0xF7A, s1;
	s8 =	simm.s32 @!p0 $0x1BF5;
	p2 =	por !p2, p0  }
0x20: {  	[sflag:s8] =	ssyncset.s32 @!p0 $0xFFFFF086;
	s6 =	sadd.s32 @!p0 s3, s7;
	s7 =	simm.s32 @!p0 $0x108  }
0x21: {  	s3 =	sadd.s32 s3, s9;
	s6 =	sadd.s32 @!p0 $0x88, s6;
	s7 =	simm.s32 @p2 $0x1082  }
0x22: {  	[simem:s7], [sflag:s8] =	dma.local @!p0 [hbm:s6], $0xF7A  }
0x23: {  	s9 =	sor.u32 $0xD0000000, s2;
	s6 =	simm.s32 $0x108;
	_ =	swait.ge @!p0 [sflag:s8], $0x0  }
0x24: {  	s3 =	sadd.s32 $0x88, s3;
	s6 =	simm.s32 @!p1 $0x1082;
	[sflag:s4] =	ssyncset.s32 $0xFFFFF086  }
0x25: {  	[simem:s6], [sflag:s4] =	dma.local [hbm:s3], $0xF7A  }
0x26: {  	[smem:$0x3F9F] =	sst s1;
	(tag) =	ssettag s2;
	_ =	strace s9  }
0x27: {  	s1 =	sld [smem:$0x3FAF]  }
0x28: {  	s2 =	sld [smem:$0x3FB0]  }
0x29: {  	s4 =	sld [smem:$0x3FB2]  }
0x2a: {  	p0 =	seq.s32 s5, $0x0;
	s5 =	sld [smem:$0x3FB3]  }
0x2b: {  	s6 =	sld [smem:$0x3FB4]  }
0x2c: {  	s7 =	sld [smem:$0x3FB5]  }
0x2d: {  	s3 =	simm.s32 $0x108;
	s8 =	sld [smem:$0x3FB6]  }
0x2e: {  	s3 =	simm.s32 @!p0 $0x1082;
	s9 =	sld [smem:$0x3FB7]  }
0x2f: {  	lr =	sadd.s32 s0, s3;
	s0 =	sld [smem:$0x3FAE]  }
0x30: {  	s3 =	sld [smem:$0x3FB1]  }
0x31: {  	[smem:$0x3FBA] =	sst s10  }
0x32: {  	s10 =	sld [smem:$0x3FB8];
	_ =	sdelay $0x3  }
0x33: {  	p0 =	seq.s32 s10, $0x1;
	s10 =	sld [smem:$0x3FBA];
	_ =	sdelay $0x3  }
0x34: {  	[smem:$0x3FBA] =	sst s10  }
0x35: {  	s10 =	sld [smem:$0x3FB9];
	_ =	sdelay $0x3  }
0x36: {  	p1 =	seq.s32 s10, $0x1;
	s10 =	sld [smem:$0x3FBA];
	_ =	sdelay $0x3  }
0x37: {  	[smem:$0x3FBA] =	sst s10  }
0x38: {  	s10 =	sld [smem:$0x3FBB]  }
0x39: {  	_ = 	snop;
	(pc) =	sbr.ind lr, $3  }
0x3a: {  	_ = 	snop  }
0x3b: {  	_ = 	snop  }
0x3c: {  	p2 =	seq.s32 s10, $0x1;
	s10 =	sld [smem:$0x3FBA]  }
0x3d: {  	_ =	shalt  }
0x3e: {  	_ =	shalt  }
0x3f: {  	_ =	shalt  }
0x40: {  	_ =	shalt  }
0x41: {  	_ =	shalt  }
0x42: {  	_ =	shalt  }
0x43: {  	_ =	shalt  }
0x44: {  	_ =	shalt  }
0x45: {  	_ =	shalt  }
0x46: {  	_ =	shalt  }
0x47: {  	_ =	shalt  }
0x48: {  	_ =	shalt  }
0x49: {  	_ =	shalt  }
0x4a: {  	_ =	shalt  }
0x4b: {  	_ =	shalt  }
0x4c: {  	_ =	shalt  }
0x4d: {  	_ =	shalt  }
0x4e: {  	_ =	shalt  }
0x4f: {  	_ =	shalt  }
0x50: {  	_ =	shalt  }
0x51: {  	_ =	shalt  }
0x52: {  	_ =	shalt  }
0x53: {  	_ =	shalt  }
0x54: {  	_ =	shalt  }
0x55: {  	_ =	shalt  }
0x56: {  	_ =	shalt  }
0x57: {  	_ =	shalt  }
0x58: {  	_ =	shalt  }
0x59: {  	_ =	shalt  }
0x5a: {  	_ =	shalt  }
0x5b: {  	_ =	shalt  }
0x5c: {  	_ =	shalt  }
0x5d: {  	_ =	shalt  }
0x5e: {  	_ =	shalt  }
0x5f: {  	_ =	shalt  }
0x60: {  	_ =	shalt  }
0x61: {  	_ =	shalt  }
0x62: {  	_ =	shalt  }
0x63: {  	_ =	shalt  }
0x64: {  	_ =	shalt  }
0x65: {  	_ =	shalt  }
0x66: {  	_ =	shalt  }
0x67: {  	_ =	shalt  }
0x68: {  	_ =	shalt  }
0x69: {  	_ =	shalt  }
0x6a: {  	_ =	shalt  }
0x6b: {  	_ =	shalt  }
0x6c: {  	_ =	shalt  }
0x6d: {  	_ =	shalt  }
0x6e: {  	_ =	shalt  }
0x6f: {  	_ =	shalt  }
0x70: {  	_ =	shalt  }
0x71: {  	_ =	shalt  }
0x72: {  	_ =	shalt  }
0x73: {  	_ =	shalt  }
0x74: {  	_ =	shalt  }
0x75: {  	_ =	shalt  }
0x76: {  	_ =	shalt  }
0x77: {  	_ =	shalt  }
0x78: {  	_ =	shalt  }
0x79: {  	_ =	shalt  }
0x7a: {  	_ =	shalt  }
0x7b: {  	_ =	shalt  }
0x7c: {  	_ =	shalt  }
0x7d: {  	_ =	shalt  }
0x7e: {  	_ =	shalt  }
0x7f: {  	_ =	shalt  }
0x80: {  	_ =	shalt  }
0x81: {  	_ =	shalt  }
0x82: {  	_ =	shalt  }
0x83: {  	_ =	shalt  }
0x84: {  	_ =	shalt  }
0x85: {  	_ =	shalt  }
0x86: {  	_ =	shalt  }
0x87: {  	_ =	shalt  }
.Lfunc_end0:
.L_simem_size_0:
called_computation_lowered:
.L_overlay_start_0:
0x88: {  	s2 =	sld [smem:$0x3FD9]  }
0x89: {  	s3 =	sld [smem:$0x3FFE];
	_ =	sdelay $0x1  }
0x8a: {  	s1 =	srdreg.scid  }
0x8b: {  	s0 =	sand.u32 $0x1, s1  }
0x8c: {  	s16 =	sshll.u32 s0, $0xA;
	s2 =	sadd.s32 s3, s2  }
0x8d: {  	s2 =	sadd.s32 s2, s16  }
0x8e: {  	[smem:$0x3FC6] =	sst s2  }
0x8f: {  	_ = 	snop  }
0x90: {  	(tm) =	ssettm $0x1  }
0x91: {  	s17 =	sld [smem:$0x3FFB];
	_ =	sdelay $0x3  }
0x92: {  	_ =	strace s17  }
0x93: {  	s2 =	sld [smem:$0x3FFC];
	_ =	sdelay $0x3  }
0x94: {  	_ =	strace s2  }
0x95: {  	s2 =	sld [smem:$0x3FFD];
	_ =	sdelay $0x3  }
0x96: {  	_ =	strace s2  }
0x97: {  	_ =	strace $0x8FFFFFFF  }
0x98: {  	s18 =	sld [smem:$0x3FDB];
	_ =	sdelay $0x1  }
0x99: {  	s19 =	simm.s32 $_scs_section_size  }
0x9a: {  	s4 =	simm.s32 $_size__tile_overlayer_lowered;
	s5 =	simm.s32 $_tile_overlayer_lowered  }
0x9b: {  	s22 =	simm.s32 $0x1BFF;
	s21 =	sshll.u32 s5, $0x1;
	s2 =	sadd.s32 s19, s18  }
0x9c: {  	s6 =	simm.s32 $0x0;
	s20 =	sshll.u32 s4, $0x1;
	s4 =	sadd.s32 s21, s2  }
0x9d: {  	[timem:s6], [sflag:s22] =	dma.local [hbm:s4], s20  }
0x9e: {  	_ =	swait.ge [sflag:s22], s20  }
0x9f: {  	s3 =	ssub.s32 $0x0, s20;
	[sflag:s22] =	ssyncset.done $0x0  }
0xa0: {  	[sflag:s22] =	ssyncadd.s32 s3;
	_ =	sdelay $0x1  }
0xa1: {  	s23 =	simm.s32 $0x1B8B  }
0xa2: {  	_ =	swait.ge [sflag:s23], $0x1  }
0xa3: {  	[sflag:s23] =	ssyncset.done $0x0  }
0xa4: {  	s25 =	simm.s32 $0x1B8E;
	s24 =	sld [smem:$0x3FFE];
	[sflag:s23] =	ssyncadd.s32 $0xFFFFFFFF  }
0xa5: {  	s26 =	simm.s32 $execute0_lowered;
	[smem:$0x3FD2] =	sst s25  }
0xa6: {  	s4 =	sshll.u32 s26, $0x1;
	_ =	strace $0x80000046;
	[dreg:$0x1] =	wrdreg $0xFFFFFFFF  }
0xa7: {  	s28 =	simm.s32 $_size_execute0_lowered;
	s2 =	sadd.s32 s2, s4;
	[dreg:$0x0] =	wrdreg $0x0  }
0xa8: {  	s4 =	sshll.u32 s28, $0x1;
	[dreg:$0x2] =	wrdreg s2  }
0xa9: {  	[dreg:$0x3] =	wrdreg s4  }
0xaa: {  	[dreg:$0x4] =	wrdreg $0xC0  }
0xab: {  	_ =	task [dreg:s6], $0x5FFFF  }
0xac: {  	[dreg:$0x1] =	wrdreg $0xFFFFFFFF  }
0xad: {  	[dreg:$0x0] =	wrdreg $0x60  }
0xae: {  	[dreg:$0x2] =	wrdreg s24  }
0xaf: {  	[dreg:$0x3] =	wrdreg $0x9  }
0xb0: {  	_ =	task.clear_ibuf [dreg:s6], $0x4FFFF;
	_ =	strace $0x90000046  }
0xb1: {  	s29 =	simm.s32 $0x9;
	_ =	strace $0x80000048  }
0xb2: {  	_ =	swait.ge [sflag:s29], $0x1  }
0xb3: {  	[sflag:s29] =	ssyncadd.s32 $0xFFFFFFFF  }
0xb4: {  	_ =	strace $0x90000048  }
0xb5: {  	_ =	sfence  }
0xb6: {  	s30 =	sld [smem:$0x0];
	_ =	sdelay $0x2  }
0xb7: {  	s31 =	sshll.u32 s1, $0xD;
	s1 =	sshrl.u32 s1, $0x2  }
0xb8: {  	s3 =	sand.u32 $0x4000, s31;
	s1 =	sadd.s32 s1, s30  }
0xb9: {  	s0 =	sor.u32 s3, s0;
	s1 =	sshll.u32 s1, $0x11  }
0xba: {  	s0 =	sor.u32 s1, s0  }
0xbb: {  	s0 =	sadd.s32 $0x8F2B, s0  }
0xbc: {  	[sflag:s0] =	ssyncadd.remote.s32 $0x1  }
0xbd: {  	_ =	sfence.sel $0xFFFF  }
0xbe: {  	[dreg:$0x0] =	wrdreg $0xFFFFFFFF;
	(pc) =	sbr.abs _section_cstart, $3  }
0xbf: {  	[dreg:$0x1] =	wrdreg $0xFFFFFFFF  }
0xc0: {  	_ =	task.clear_ibuf [dreg:s6], $0x2FFFF;
	_ =	strace $0x9FFFFFFF  }
0xc1: {  	(tm) =	ssettm $0x7FFFFFFF  }
tec
execute0_lowered:
.L_overlay_start_1:
0x0: {  	(tag) =	ssettag $0x1  }
0x1: {  	s2 =	rddreg [dreg:$0x0];
	s3 =	srdreg.scid  }
0x2: {  	s0 =	rddreg [dreg:$0x1];
	s1 =	stileid.u32;
	s11 =	simm.s32 $0x80  }
0x3: {  	s12 =	simm.s32 $0x400;
	s13 =	simm.s32 $0x1400;
	s14 =	simm.s32 $0x2800  }
0x4: {  	s15 =	simm.s32 $0x3C00;
	s16 =	simm.s32 $0x5000;
	s17 =	simm.s32 $0x1  }
0x5: {  	s18 =	simm.s32 $0x7800;
	s19 =	simm.s32 $0x2;
	s20 =	simm.s32 $0x0  }
0x6: {  	s5 =	sand.u32 $0x1, s3;
	s3 =	simm.s32 $0x0;
	s4 =	sshll.u32 s1, $0x5  }
0x7: {  	s8 =	sadd.s32 $0x40, s2;
	s6 =	sshll.u32 s5, $0x4;
	s5 =	ssub.s32 $0x2, s5  }
0x8: {  	[smem:$0x7FF] =	sst s3;
	s4 =	sor.u32 s6, s4;
	s7 =	sshrl.u32 s5, $0x1  }
0x9: {  	_ =	strace $0x80000047;
	s6 =	sshrl.u32 s4, $0x3;
	s10 =	ssub.s32 s5, s7  }
0xa: {  	s5 =	sadd.s32 $0x10, s2;
	s7 =	sadd.s32 $0x30, s2;
	s9 =	sadd.s32 s6, s2  }
0xb: {  	s6 =	sadd.s32 $0x20, s2;
	s10 =	smax.u32 s10, $0x1;
	s9 =	sadd.s32 $0x1400, s9  }
.LBB2_1:
0xc: {  	[tilespmem:s3], [sflag:$0x1] =	stream.strided.gather [hbm4b:s2+s11], $0x1400, s12, s11, $0x38;
	[tilespmem:$0x7880] =	vst v63  }
0xd: {  	_ = 	snop  }
0xe: {  	[tilespmem:s13], [sflag:$0x1] =	stream.strided.gather [hbm4b:s5+s11], $0x1400, s12, s11, $0x38;
	[tilespmem:$0x7880] =	vst v63  }
0xf: {  	_ = 	snop  }
0x10: {  	[tilespmem:s14], [sflag:$0x1] =	stream.strided.gather [hbm4b:s6+s11], $0x1400, s12, s11, $0x38;
	[tilespmem:$0x7880] =	vst v63  }
0x11: {  	_ = 	snop  }
0x12: {  	[tilespmem:s15], [sflag:$0x1] =	stream.strided.gather [hbm4b:s7+s11], $0x1400, s12, s11, $0x38;
	[tilespmem:$0x7880] =	vst v63  }
0x13: {  	_ = 	snop  }
0x14: {  	[tilespmem:s16], [sflag:$0x1] =	stream.strided.gather [hbm4b:s8+s11], $0x1400, s12, s11, $0x38;
	[tilespmem:$0x7880] =	vst v63  }
0x15: {  	_ =	swait.ge [sflag:s17], $0x1400  }
0x16: {  	[sflag:s17] =	ssyncset.done $0x0  }
0x17: {  	[sflag:s17] =	ssyncadd.s32 $0xFFFFEC00  }
0x18: {  	_ =	swait.ge [sflag:s17], $0x1400  }
0x19: {  	[sflag:s17] =	ssyncset.done $0x0  }
0x1a: {  	[sflag:s17] =	ssyncadd.s32 $0xFFFFEC00  }
0x1b: {  	_ =	swait.ge [sflag:s17], $0x1400  }
0x1c: {  	[sflag:s17] =	ssyncset.done $0x0  }
0x1d: {  	[sflag:s17] =	ssyncadd.s32 $0xFFFFEC00  }
0x1e: {  	_ =	swait.ge [sflag:s17], $0x1400  }
0x1f: {  	[sflag:s17] =	ssyncset.done $0x0  }
0x20: {  	[sflag:s17] =	ssyncadd.s32 $0xFFFFEC00  }
0x21: {  	_ =	swait.ge [sflag:s17], $0x1400  }
0x22: {  	[sflag:s17] =	ssyncset.done $0x0  }
0x23: {  	s21 =	simm.s32 $0x0;
	[sflag:s17] =	ssyncadd.s32 $0xFFFFEC00  }
0x24: {  	v1 =	vld [tilespmem:s21+$0x2800]  }
0x25: {  	v3 =	vld [tilespmem:s21+$0x0]  }
0x26: {  	v4 =	vld [tilespmem:s21+$0x3C00]  }
0x27: {  	v5 =	vld [tilespmem:s21+$0x1400];
	_ =	sdelay $0x1  }
0x28: {  	s22 =	simm.s32 $0x10  }
0x29: {  	v0 =	vld [tilespmem:s22+$0x2800]  }
0x2a: {  	v2 =	vld [tilespmem:s22+$0x0]  }
0x2b: {  	v6 =	vsub.f32 v1, v3;
	v4 =	vsub.f32 v4, v5;
	v1 =	vld [tilespmem:s22+$0x3C00]  }
0x2c: {  	v3 =	vld [tilespmem:s22+$0x1400]  }
0x2d: {  	s23 =	simm.s32 $0x80;
	v4 =	vmul.f32 v4, v6  }
.LBB2_2:
0x2e: {  	s24 =	sshra.s32 s23, $0x2;
	v5 =	vmov v0;
	p0 =	sne.s32 s23, $0x4FC0  }
.Ltmp0:
0x2f: {  	v0 =	vld [tilespmem:s24+$0x2800];
	[tilespmem:s21+$0x6400] =	vst v4;
	v4 =	vmov v2;
	s21 =	smov.u32 s22;
	s22 =	smov.u32 s24;
	(pc) =	sbr.rel @p0 .LBB2_2-.Ltmp0, $4  }
0x30: {  	v2 =	vld [tilespmem:s22+$0x0]  }
0x31: {  	s23 =	sadd.s32 $0x40, s23;
	v4 =	vsub.f32 v5, v4;
	v5 =	vsub.f32 v1, v3;
	v1 =	vld [tilespmem:s22+$0x3C00]  }
0x32: {  	v3 =	vld [tilespmem:s22+$0x1400]  }
0x33: {  	v4 =	vmul.f32 v5, v4  }
0x34: {  	_ =	sdelay $0x2  }
0x35: {  	v0 =	vsub.f32 v0, v2;
	v1 =	vsub.f32 v1, v3;
	_ =	sdelay $0x1  }
0x36: {  	v0 =	vmul.f32 v1, v0  }
0x37: {  	[tilespmem:s21+$0x6400] =	vst v4  }
0x38: {  	s31 =	simm.s32 $0x0;
	[tilespmem:s22+$0x6400] =	vst v0  }
0x39: {  	v8 =	vld [tilespmem:s31+$0x5000];
	_ =	sdelay $0x3  }
0x3a: {  	v12 =	vld [tilespmem:s31+$0x6400]  }
0x3b: {  	v18 =	vld [tilespmem:s31+$0x0];
	v61 =	vbroadcast v8, $0xC  }
0x3c: {  	v16 =	vld [tilespmem:s31+$0x1400];
	v60 =	vbroadcast v8, $0xD;
	v59 =	vbroadcast v8, $0xE  }
0x3d: {  	v19 =	vld [tilespmem:s31+$0x2800];
	v58 =	vbroadcast v8, $0xF;
	v57 =	vbroadcast v8, $0x8  }
0x3e: {  	v14 =	vld [tilespmem:s31+$0x3C00];
	v55 =	vbroadcast v8, $0x9;
	v54 =	vbroadcast v8, $0xA  }
0x3f: {  	v24 =	vbroadcast v12, $0xC;
	v22 =	vbroadcast v12, $0xD  }
0x40: {  	v21 =	vbroadcast v12, $0xE;
	v20 =	vbroadcast v12, $0xF  }
0x41: {  	v17 =	vbroadcast v12, $0x8;
	v15 =	vbroadcast v12, $0x9  }
0x42: {  	v13 =	vbroadcast v18, $0xC;
	v23 =	vbroadcast v16, $0xC  }
0x43: {  	v25 =	vbroadcast v19, $0xC;
	v26 =	vbroadcast v14, $0xC  }
0x44: {  	v27 =	vbroadcast v18, $0xD;
	v28 =	vbroadcast v16, $0xD  }
0x45: {  	v29 =	vbroadcast v19, $0xD;
	v30 =	vbroadcast v14, $0xD  }
0x46: {  	v31 =	vbroadcast v18, $0xE;
	v32 =	vbroadcast v16, $0xE  }
0x47: {  	v33 =	vbroadcast v19, $0xE;
	v34 =	vbroadcast v14, $0xE  }
0x48: {  	v35 =	vbroadcast v18, $0xF;
	v36 =	vbroadcast v16, $0xF  }
0x49: {  	v37 =	vbroadcast v19, $0xF;
	v38 =	vbroadcast v14, $0xF  }
0x4a: {  	v39 =	vbroadcast v18, $0x8;
	v40 =	vbroadcast v16, $0x8  }
0x4b: {  	v41 =	vbroadcast v19, $0x8;
	v42 =	vbroadcast v14, $0x8  }
0x4c: {  	v0 =	vld [tilespmem:s4+$0x0];
	v43 =	vbroadcast v18, $0x9;
	v44 =	vbroadcast v16, $0x9  }
0x4d: {  	v1 =	vld [tilespmem:s4+$0x2800];
	v45 =	vbroadcast v19, $0x9;
	v46 =	vbroadcast v14, $0x9  }
0x4e: {  	v2 =	vld [tilespmem:s4+$0x1400];
	v47 =	vbroadcast v18, $0xA;
	v48 =	vbroadcast v16, $0xA  }
0x4f: {  	v3 =	vld [tilespmem:s4+$0x3C00];
	v49 =	vbroadcast v19, $0xA;
	v50 =	vbroadcast v14, $0xA  }
0x50: {  	v52 =	vbroadcast v18, $0x4;
	v53 =	vbroadcast v19, $0x4  }
0x51: {  	v63 =	vbroadcast v14, $0x4;
	v56 =	vbroadcast v14, $0x5  }
0x52: {  	v62 =	vbroadcast v18, $0x6;
	v10 =	vbroadcast v8, $0xB  }
0x53: {  	v13 =	vmax.f32 v0, v13;
	v25 =	vmin.f32 v1, v25;
	v23 =	vmax.f32 v2, v23  }
0x54: {  	v26 =	vmin.f32 v3, v26;
	v27 =	vmax.f32 v0, v27;
	v28 =	vmax.f32 v2, v28  }
0x55: {  	v29 =	vmin.f32 v1, v29;
	v30 =	vmin.f32 v3, v30;
	v31 =	vmax.f32 v0, v31  }
0x56: {  	v33 =	vmin.f32 v1, v33;
	v32 =	vmax.f32 v2, v32;
	v34 =	vmin.f32 v3, v34  }
0x57: {  	v35 =	vmax.f32 v0, v35;
	v37 =	vmin.f32 v1, v37;
	v39 =	vmax.f32 v0, v39  }
0x58: {  	v41 =	vmin.f32 v1, v41;
	v36 =	vmax.f32 v2, v36;
	v38 =	vmin.f32 v3, v38  }
0x59: {  	v40 =	vmax.f32 v2, v40;
	v42 =	vmin.f32 v3, v42;
	v43 =	vmax.f32 v0, v43  }
0x5a: {  	v45 =	vmin.f32 v1, v45;
	v44 =	vmax.f32 v2, v44;
	v46 =	vmin.f32 v3, v46  }
0x5b: {  	v47 =	vmax.f32 v0, v47;
	v49 =	vmin.f32 v1, v49;
	v48 =	vmax.f32 v2, v48  }
0x5c: {  	v50 =	vmin.f32 v3, v50;
	v63 =	vmin.f32 v3, v63;
	v62 =	vmax.f32 v0, v62  }
0x5d: {  	v13 =	vsub.f32 v25, v13;
	v25 =	vbroadcast v18, $0xB;
	v23 =	vsub.f32 v26, v23  }
0x5e: {  	v26 =	vbroadcast v16, $0xB;
	v27 =	vsub.f32 v29, v27;
	v29 =	vbroadcast v19, $0xB  }
0x5f: {  	v28 =	vsub.f32 v30, v28;
	v30 =	vbroadcast v14, $0xB;
	v31 =	vsub.f32 v33, v31  }
0x60: {  	v32 =	vsub.f32 v34, v32;
	v34 =	vbroadcast v16, $0x4;
	v35 =	vsub.f32 v37, v35  }
0x61: {  	v39 =	vsub.f32 v41, v39;
	v36 =	vsub.f32 v38, v36;
	v38 =	vbroadcast v18, $0x5  }
0x62: {  	v40 =	vsub.f32 v42, v40;
	v42 =	vbroadcast v16, $0x5;
	v43 =	vsub.f32 v45, v43  }
0x63: {  	v45 =	vbroadcast v19, $0x5;
	v44 =	vsub.f32 v46, v44;
	v47 =	vsub.f32 v49, v47  }
0x64: {  	v48 =	vsub.f32 v50, v48;
	v50 =	vbroadcast v16, $0x6;
	v33 =	vmax.f32 v0, v52  }
0x65: {  	v37 =	vmin.f32 v1, v53;
	v52 =	vbroadcast v19, $0x7;
	v53 =	vmin.f32 v3, v56  }
0x66: {  	v56 =	vbroadcast v14, $0x7;
	v33 =	vsub.f32 v37, v33;
	v25 =	vmax.f32 v0, v25  }
0x67: {  	v29 =	vmin.f32 v1, v29;
	v26 =	vmax.f32 v2, v26;
	v30 =	vmin.f32 v3, v30  }
0x68: {  	v34 =	vmax.f32 v2, v34;
	v38 =	vmax.f32 v0, v38;
	v45 =	vmin.f32 v1, v45  }
0x69: {  	v42 =	vmax.f32 v2, v42;
	v41 =	vmin.f32 v1, v52;
	v49 =	vmin.f32 v3, v56  }
0x6a: {  	v23 =	vmax.f32 v23, $0.0e+00;
	v52 =	vmax.f32 v36, $0.0e+00;
	v56 =	vbroadcast v14, $0x1  }
0x6b: {  	v51 =	vsub.f32 v29, v25;
	v25 =	vbroadcast v19, $0x6;
	v29 =	vbroadcast v14, $0x6  }
0x6c: {  	v26 =	vsub.f32 v30, v26;
	v30 =	vbroadcast v18, $0x7;
	v37 =	vsub.f32 v63, v34  }
0x6d: {  	v34 =	vbroadcast v16, $0x7;
	v38 =	vsub.f32 v45, v38;
	v42 =	vsub.f32 v53, v42  }
0x6e: {  	v63 =	vmax.f32 v2, v50;
	v50 =	vbroadcast v12, $0xA;
	v53 =	vbroadcast v16, $0x1  }
0x6f: {  	v25 =	vmin.f32 v1, v25;
	v29 =	vmin.f32 v3, v29;
	v30 =	vmax.f32 v0, v30  }
0x70: {  	v26 =	vmax.f32 v26, $0.0e+00;
	v46 =	vsub.f32 v25, v62;
	v25 =	vbroadcast v18, $0x0  }
0x71: {  	v4 =	vsub.f32 v29, v63;
	v29 =	vbroadcast v19, $0x0;
	v41 =	vsub.f32 v41, v30  }
0x72: {  	v30 =	vmax.f32 v2, v34;
	v62 =	vmax.f32 v44, $0.0e+00;
	v63 =	vbroadcast v16, $0x2  }
0x73: {  	v34 =	vmax.f32 v2, v53;
	v44 =	vbroadcast v19, $0x2;
	v9 =	vsub.f32 v49, v30  }
0x74: {  	v30 =	vbroadcast v14, $0x0;
	v25 =	vmax.f32 v0, v25;
	v29 =	vmin.f32 v1, v29  }
0x75: {  	v49 =	vmax.f32 v47, $0.0e+00;
	v53 =	vmax.f32 v2, v63;
	v45 =	vsub.f32 v29, v25  }
0x76: {  	v25 =	vmax.f32 v13, $0.0e+00;
	v29 =	vbroadcast v16, $0x0;
	v16 =	vbroadcast v16, $0x3  }
0x77: {  	v23 =	vmul.f32 v23, v25;
	v25 =	vmax.f32 v27, $0.0e+00;
	v27 =	vmax.f32 v28, $0.0e+00  }
0x78: {  	v13 =	vld [tilespmem:s4+$0x6400];
	v28 =	vbroadcast v18, $0x1;
	v25 =	vmul.f32 v27, v25;
	v27 =	vmax.f32 v2, v29  }
0x79: {  	v29 =	vmin.f32 v3, v30;
	v30 =	vmax.f32 v31, $0.0e+00;
	v31 =	vmax.f32 v32, $0.0e+00  }
0x7a: {  	v16 =	vmax.f32 v2, v16;
	v32 =	vsub.f32 v29, v27;
	v29 =	vbroadcast v19, $0x1  }
0x7b: {  	v27 =	vmul.f32 v31, v30;
	v31 =	vbroadcast v12, $0xB;
	v28 =	vmax.f32 v0, v28  }
0x7c: {  	v30 =	vmax.f32 v35, $0.0e+00;
	v35 =	vmin.f32 v3, v56;
	v19 =	vbroadcast v19, $0x3  }
0x7d: {  	v56 =	vbroadcast v12, $0x6;
	v24 =	vadd.f32 v24, v13;
	v22 =	vadd.f32 v22, v13  }
0x7e: {  	v29 =	vmin.f32 v1, v29;
	v21 =	vadd.f32 v21, v13;
	v20 =	vadd.f32 v20, v13  }
0x7f: {  	v19 =	vmin.f32 v1, v19;
	v17 =	vadd.f32 v17, v13;
	v15 =	vadd.f32 v15, v13  }
0x80: {  	v31 =	vadd.f32 v31, v13;
	v7 =	vsub.f32 v29, v28;
	v28 =	vmul.f32 v52, v30  }
0x81: {  	v29 =	vmax.f32 v39, $0.0e+00;
	v30 =	vmax.f32 v40, $0.0e+00;
	v39 =	vsub.f32 v35, v34  }
0x82: {  	v34 =	vmin.f32 v1, v44;
	v52 =	vmax.f32 v48, $0.0e+00;
	v44 =	vbroadcast v12, $0x1  }
0x83: {  	v48 =	vmax.f32 v41, $0.0e+00;
	v24 =	vsub.f32 v24, v23;
	v29 =	vmul.f32 v30, v29  }
0x84: {  	v30 =	vmax.f32 v43, $0.0e+00;
	v22 =	vsub.f32 v22, v25;
	v21 =	vsub.f32 v21, v27  }
0x85: {  	v43 =	vbroadcast v12, $0x7;
	v30 =	vmul.f32 v62, v30;
	v20 =	vsub.f32 v20, v28  }
0x86: {  	v62 =	vimm.f32 $0.0e+00;
	v63 =	vadd.f32 v44, v13;
	(erf) = vrcp.f32 v24  }
0x87: {  	v44 =	vmax.f32 v32, $0.0e+00;
	v24 =	vbroadcast v18, $0x2;
	v18 =	vbroadcast v18, $0x3  }
0x88: {  	v17 =	vsub.f32 v17, v29;
	v11 =	vadd.f32 v43, v13;
	(erf) = vrcp.f32 v22  }
0x89: {  	v43 =	vmax.f32 v7, $0.0e+00;
	v22 =	vbroadcast v14, $0x2;
	v14 =	vbroadcast v14, $0x3  }
0x8a: {  	v15 =	vsub.f32 v15, v30;
	v24 =	vmax.f32 v0, v24;
	(erf) = vrcp.f32 v21  }
0x8b: {  	v21 =	vbroadcast v12, $0x5;
	v18 =	vmax.f32 v0, v18;
	v47 =	vsub.f32 v34, v24  }
0x8c: {  	v34 =	vmul.f32 v52, v49;
	v24 =	vbroadcast v12, $0x4;
	v22 =	vmin.f32 v3, v22  }
0x8d: {  	v6 =	vsub.f32 v19, v18;
	(erf) = vrcp.f32 v20;
	v14 =	vmin.f32 v3, v14  }
0x8e: {  	v20 =	vmax.f32 v33, $0.0e+00;
	v33 =	vadd.f32 v50, v13;
	v40 =	vsub.f32 v22, v53  }
0x8f: {  	v22 =	vmax.f32 v51, $0.0e+00;
	v16 =	vsub.f32 v14, v16;
	(erf) = vrcp.f32 v17  }
0x90: {  	v51 =	vadd.f32 v21, v13;
	v14 =	vadd.f32 v56, v13;
	v36 =	vmul.f32 v26, v22  }
0x91: {  	v22 =	vmax.f32 v37, $0.0e+00;
	v26 =	vbroadcast v12, $0x0;
	v5 =	vadd.f32 v24, v13  }
0x92: {  	(erf) = vrcp.f32 v15;
	v15 =	vmax.f32 v4, $0.0e+00;
	v4 =	vmax.f32 v9, $0.0e+00  }
0x93: {  	v49 =	vsub.f32 v33, v34;
	v37 =	vmul.f32 v22, v20;
	v20 =	vmax.f32 v38, $0.0e+00  }
0x94: {  	v22 =	vmax.f32 v42, $0.0e+00;
	v42 =	vmax.f32 v45, $0.0e+00;
	v45 =	vmax.f32 v39, $0.0e+00  }
0x95: {  	v39 =	vmax.f32 v47, $0.0e+00;
	v40 =	vmax.f32 v40, $0.0e+00;
	v38 =	vmax.f32 v6, $0.0e+00  }
0x96: {  	v41 =	vmax.f32 v16, $0.0e+00;
	v35 =	vmul.f32 v22, v20;
	v22 =	vbroadcast v12, $0x2  }
0x97: {  	v12 =	vbroadcast v12, $0x3;
	v56 =	vadd.f32 v26, v13;
	v50 =	vsub.f32 v31, v36  }
0x98: {  	(erf) = vrcp.f32 v49;
	v31 =	vmul.f32 v4, v48;
	v4 =	vimm.f32 $0.0e+00  }
0x99: {  	v33 =	vsub.f32 v5, v37;
	[tilespmem:$0x1FFE0] =	vst v4;
	v4 =	vimm.f32 $0.0e+00;
	v53 =	vadd.f32 v22, v13  }
0x9a: {  	[tilespmem:$0x1FFD0] =	vst v10;
	v52 =	vadd.f32 v12, v13;
	v12 =	vmax.f32 v46, $0.0e+00;
	v46 =	vsub.f32 v51, v35  }
0x9b: {  	s21 =	simm.s32 $0x40;
	(erf) = vrcp.f32 v50;
	v51 =	vimm.f32 $0.0e+00;
	[tilespmem:$0x1FFF0] =	vst v4;
	v32 =	vmul.f32 v15, v12;
	v12 =	vld [tilespmem:s4+$0x5000]  }
.LBB2_4:
0x9c: {  	_ =	sdelay $0x2  }
0x9d: {  	v42 =	vmul.f32 v44, v42;
	(erf) = vrcp.f32 v33;
	v4 =	vsub.f32 v14, v32  }
0x9e: {  	v33 =	vmul.f32 v45, v43;
	v43 =	vpop (erf);
	(erf) = vrcp.f32 v46;
	v5 =	vsub.f32 v11, v31  }
0x9f: {  	v39 =	vmul.f32 v40, v39;
	v6 =	vsub.f32 v56, v42;
	v21 =	vpop (erf);
	(erf) = vrcp.f32 v4  }
0xa0: {  	v38 =	vmul.f32 v41, v38;
	v20 =	vpop (erf);
	v4 =	vsub.f32 v63, v33;
	(erf) = vrcp.f32 v5  }
0xa1: {  	v40 =	vbroadcast v8, $0x4;
	v26 =	vpop (erf);
	v5 =	vsub.f32 v53, v39;
	(erf) = vrcp.f32 v6  }
0xa2: {  	v47 =	vbroadcast v8, $0x1;
	v24 =	vpop (erf);
	(erf) = vrcp.f32 v4  }
0xa3: {  	v49 =	vbroadcast v8, $0x2;
	v22 =	vpop (erf);
	(erf) = vrcp.f32 v5  }
0xa4: {  	v56 =	vbroadcast v8, $0x7;
	v23 =	vmul.f32 v43, v23;
	v19 =	vpop (erf)  }
0xa5: {  	vm10 =	vgt.f32 v40, v12;
	v11 =	vmul.f32 v21, v25;
	v10 =	vmul.f32 v20, v27;
	v48 =	vpop (erf)  }
0xa6: {  	v18 =	vmul.f32 v23, v23;
	v20 =	vmul.f32 v26, v28;
	v6 =	vsub.f32 v52, v38;
	v50 =	vpop (erf)  }
0xa7: {  	vm13 =	vgt.f32 v47, v12;
	v63 =	vbroadcast v8, $0x0;
	v24 =	vmul.f32 v24, v29;
	v21 =	vpop (erf)  }
0xa8: {  	vm14 =	vgt.f32 v49, v12;
	v14 =	vld [tilespmem:$0x1FFD0];
	v11 =	vmul.f32 v11, v11;
	(erf) = vrcp.f32 v6;
	v25 =	vpop (erf)  }
0xa9: {  	vm3 =	vgt.f32 v60, v12;
	v53 =	vbroadcast v8, $0x6;
	v22 =	vmul.f32 v22, v30;
	v9 =	vpop (erf)  }
0xaa: {  	vm6 =	vgt.f32 v55, v12;
	v20 =	vmul.f32 v20, v20;
	v52 =	vbroadcast v8, $0x5;
	v7 =	vpop (erf)  }
0xab: {  	vm8 =	vgt.f32 v56, v12;
	v8 =	vbroadcast v8, $0x3;
	v23 =	vmul.f32 v24, v24;
	v6 =	vpop (erf)  }
0xac: {  	vm12 =	vgt.f32 v63, v12;
	v11 =	vnsel vm3, $0x0, v11;
	v26 =	vmul.f32 v48, v36;
	v5 =	vpop (erf)  }
0xad: {  	vm5 =	vgt.f32 v14, v12;
	vm9 =	vgt.f32 v53, v12;
	v14 =	vld [tilespmem:$0x1FFE0];
	v5 =	vmul.f32 v5, v39  }
0xae: {  	v22 =	vmul.f32 v22, v22;
	vm11 =	vgt.f32 v52, v12;
	v27 =	vmul.f32 v50, v37  }
0xaf: {  	vm15 =	vgt.f32 v8, v12;
	v6 =	vmul.f32 v6, v33;
	v5 =	vmul.f32 v5, v5  }
0xb0: {  	v24 =	vmul.f32 v26, v26;
	v22 =	vnsel vm6, $0x0, v22;
	v21 =	vmul.f32 v21, v35  }
0xb1: {  	v26 =	vmul.f32 v27, v27;
	v4 =	vpop (erf);
	v6 =	vmul.f32 v6, v6;
	v5 =	vnsel vm14, $0x0, v5  }
0xb2: {  	v7 =	vmul.f32 v7, v42;
	v4 =	vmul.f32 v4, v38;
	v5 =	vadd.f32 v5, v14;
	v14 =	vld [tilespmem:$0x1FFF0]  }
0xb3: {  	v21 =	vmul.f32 v21, v21;
	v9 =	vmul.f32 v9, v31;
	v6 =	vnsel vm13, $0x0, v6  }
0xb4: {  	v7 =	vmul.f32 v7, v7;
	v4 =	vmul.f32 v4, v4;
	v6 =	vadd.f32 v6, v51  }
0xb5: {  	v25 =	vmul.f32 v25, v32;
	v21 =	vnsel vm11, $0x0, v21;
	v9 =	vmul.f32 v9, v9  }
0xb6: {  	v7 =	vnsel vm12, $0x0, v7;
	v4 =	vnsel vm15, $0x0, v4;
	v6 =	vadd.f32 v6, v21  }
0xb7: {  	v25 =	vmul.f32 v25, v25;
	v7 =	vadd.f32 v7, v62;
	v4 =	vadd.f32 v4, v14  }
0xb8: {  	v8 =	vnsel vm10, $0x0, v26;
	v9 =	vnsel vm8, $0x0, v9;
	v6 =	vadd.f32 v6, v22  }
0xb9: {  	s22 =	sshra.s32 s21, $0x2;
	v7 =	vadd.f32 v7, v8;
	v14 =	vnsel vm9, $0x0, v25;
	v4 =	vadd.f32 v4, v9  }
0xba: {  	v8 =	vld [tilespmem:s22+$0x5000];
	v6 =	vadd.f32 v6, v11;
	v5 =	vadd.f32 v5, v14;
	v14 =	vnsel vm5, $0x0, v24  }
0xbb: {  	vm1 =	vgt.f32 v58, v12;
	v4 =	vadd.f32 v4, v14  }
0xbc: {  	[tilespmem:$0x1FEC0] =	vst v6;
	v6 =	vnsel vm1, $0x0, v20  }
0xbd: {  	v4 =	vadd.f32 v4, v6;
	_ =	sdelay $0x1  }
0xbe: {  	[tilespmem:$0x1FFF0] =	vst v4;
	v4 =	vbroadcast v8, $0xC;
	_ =	sdelay $0x1  }
0xbf: {  	[tilespmem:$0x1FE10] =	vst v4;
	v4 =	vbroadcast v8, $0xD;
	_ =	sdelay $0x1  }
0xc0: {  	[tilespmem:$0x1FE40] =	vst v4;
	v4 =	vbroadcast v8, $0xE;
	_ =	sdelay $0x1  }
0xc1: {  	[tilespmem:$0x1FE20] =	vst v4;
	v4 =	vbroadcast v8, $0xF;
	_ =	sdelay $0x1  }
0xc2: {  	[tilespmem:$0x1FE00] =	vst v4;
	v4 =	vbroadcast v8, $0x8;
	_ =	sdelay $0x1  }
0xc3: {  	[tilespmem:$0x1FDE0] =	vst v4;
	v4 =	vbroadcast v8, $0x9  }
0xc4: {  	v35 =	vld [tilespmem:s22+$0x6400]  }
0xc5: {  	[tilespmem:$0x1FED0] =	vst v4;
	v4 =	vbroadcast v8, $0xA;
	_ =	sdelay $0x1  }
0xc6: {  	[tilespmem:$0x1FF00] =	vst v4;
	v4 =	vbroadcast v8, $0xB;
	_ =	sdelay $0x1  }
0xc7: {  	[tilespmem:$0x1FFD0] =	vst v4;
	v4 =	vbroadcast v35, $0x4;
	_ =	sdelay $0x1  }
0xc8: {  	[tilespmem:$0x1FCE0] =	vst v4;
	v4 =	vbroadcast v35, $0x5  }
0xc9: {  	v20 =	vld [tilespmem:s22+$0x0]  }
0xca: {  	[tilespmem:$0x1FCF0] =	vst v4;
	v4 =	vbroadcast v35, $0x6  }
0xcb: {  	v21 =	vld [tilespmem:s22+$0x1400]  }
0xcc: {  	[tilespmem:$0x1FD00] =	vst v4;
	v4 =	vbroadcast v35, $0x7  }
0xcd: {  	v24 =	vld [tilespmem:s22+$0x2800]  }
0xce: {  	[tilespmem:$0x1FD10] =	vst v4;
	v4 =	vbroadcast v20, $0xC  }
0xcf: {  	v38 =	vld [tilespmem:s22+$0x3C00]  }
0xd0: {  	[tilespmem:$0x1FD20] =	vst v4;
	v4 =	vbroadcast v21, $0xC;
	_ =	sdelay $0x1  }
0xd1: {  	[tilespmem:$0x1FD30] =	vst v4;
	v4 =	vbroadcast v24, $0xC  }
0xd2: {  	v46 =	vbroadcast v35, $0xE  }
0xd3: {  	[tilespmem:$0x1FD40] =	vst v4;
	v4 =	vbroadcast v38, $0xC  }
0xd4: {  	vm7 =	vgt.f32 v57, v12;
	v46 =	vadd.f32 v46, v13  }
0xd5: {  	vm2 =	vgt.f32 v61, v12;
	v23 =	vnsel vm7, $0x0, v23;
	[tilespmem:$0x1FD50] =	vst v4;
	v4 =	vbroadcast v20, $0xD  }
0xd6: {  	v19 =	vmul.f32 v19, v34;
	[tilespmem:$0x1FF30] =	vst v46;
	v55 =	vbroadcast v38, $0x0;
	v7 =	vadd.f32 v7, v23  }
0xd7: {  	v10 =	vmul.f32 v10, v10;
	v18 =	vnsel vm2, $0x0, v18;
	[tilespmem:$0x1FD60] =	vst v4;
	v4 =	vbroadcast v21, $0xD  }
0xd8: {  	v19 =	vmul.f32 v19, v19;
	v49 =	vbroadcast v35, $0x8;
	[tilespmem:$0x1FDF0] =	vst v55;
	v7 =	vadd.f32 v7, v18  }
0xd9: {  	v51 =	vbroadcast v35, $0x9;
	[tilespmem:$0x1FD70] =	vst v4;
	v4 =	vbroadcast v24, $0xD  }
0xda: {  	vm0 =	vgt.f32 v59, v12;
	[tilespmem:$0x1FDD0] =	vst v7;
	v59 =	vbroadcast v20, $0xF;
	v55 =	vbroadcast v20, $0x1  }
0xdb: {  	v41 =	vbroadcast v20, $0x8;
	[tilespmem:$0x1FD80] =	vst v4;
	v4 =	vbroadcast v38, $0xD  }
0xdc: {  	v45 =	vbroadcast v20, $0x9;
	[tilespmem:$0x1FE30] =	vst v55;
	v55 =	vbroadcast v21, $0x1  }
0xdd: {  	v33 =	vbroadcast v20, $0xA;
	[tilespmem:$0x1FD90] =	vst v4;
	v4 =	vbroadcast v20, $0xE  }
0xde: {  	vm4 =	vgt.f32 v54, v12;
	v25 =	vbroadcast v20, $0xB;
	[tilespmem:$0x1FE50] =	vst v55;
	v55 =	vbroadcast v24, $0x1  }
0xdf: {  	v9 =	vnsel vm4, $0x0, v19;
	v28 =	vbroadcast v20, $0x4;
	[tilespmem:$0x1FDA0] =	vst v4;
	v4 =	vbroadcast v21, $0xE  }
0xe0: {  	v5 =	vadd.f32 v5, v9;
	v14 =	vbroadcast v20, $0x5;
	[tilespmem:$0x1FE60] =	vst v55;
	v55 =	vbroadcast v38, $0x1  }
0xe1: {  	v9 =	vnsel vm0, $0x0, v10;
	v10 =	vbroadcast v20, $0x6;
	[tilespmem:$0x1FDB0] =	vst v4;
	v4 =	vbroadcast v38, $0xF  }
0xe2: {  	v7 =	vbroadcast v20, $0x7;
	v46 =	vbroadcast v20, $0x3;
	[tilespmem:$0x1FE70] =	vst v55  }
0xe3: {  	v55 =	vbroadcast v20, $0x2;
	[tilespmem:$0x1FDC0] =	vst v4;
	v4 =	vbroadcast v20, $0x0;
	v20 =	vadd.f32 v49, v13;
	_ =	sdelay $0x1  }
0xe4: {  	[tilespmem:$0x1FF50] =	vst v20;
	v20 =	vadd.f32 v51, v13;
	_ =	sdelay $0x1  }
0xe5: {  	v56 =	vbroadcast v35, $0xA;
	[tilespmem:$0x1FF60] =	vst v20;
	v20 =	vbroadcast v21, $0x3;
	_ =	sdelay $0x1  }
0xe6: {  	v62 =	vbroadcast v35, $0xB;
	[tilespmem:$0x1FEE0] =	vst v20;
	v20 =	vadd.f32 v56, v13;
	_ =	sdelay $0x1  }
0xe7: {  	[tilespmem:$0x1FF70] =	vst v20;
	v20 =	vadd.f32 v62, v13;
	_ =	sdelay $0x1  }
0xe8: {  	v48 =	vbroadcast v35, $0xC;
	[tilespmem:$0x1FF90] =	vst v20;
	v20 =	vbroadcast v24, $0x3  }
0xe9: {  	v54 =	vbroadcast v35, $0xD;
	v50 =	vbroadcast v35, $0xF  }
0xea: {  	v63 =	vbroadcast v35, $0x0;
	v53 =	vbroadcast v35, $0x2;
	[tilespmem:$0x1FEF0] =	vst v20;
	v20 =	vld [tilespmem:$0x1FCE0]  }
0xeb: {  	v52 =	vbroadcast v35, $0x3;
	v42 =	vbroadcast v35, $0x1  }
0xec: {  	v48 =	vadd.f32 v48, v13;
	v54 =	vadd.f32 v54, v13;
	v58 =	vbroadcast v38, $0xE  }
0xed: {  	v53 =	vadd.f32 v53, v13;
	v44 =	vbroadcast v38, $0x8;
	v40 =	vbroadcast v38, $0x9  }
0xee: {  	[tilespmem:$0x1FF20] =	vst v54;
	v54 =	vadd.f32 v50, v13;
	v32 =	vbroadcast v38, $0xA;
	v27 =	vbroadcast v38, $0xB  }
0xef: {  	v17 =	vbroadcast v38, $0x5;
	v58 =	vmin.f32 v3, v58;
	v20 =	vadd.f32 v20, v13  }
0xf0: {  	v44 =	vmin.f32 v3, v44;
	v60 =	vbroadcast v21, $0xF;
	v47 =	vbroadcast v21, $0x8  }
0xf1: {  	v40 =	vmin.f32 v3, v40;
	v39 =	vbroadcast v21, $0x9;
	v34 =	vbroadcast v21, $0xA;
	[tilespmem:$0x1FFB0] =	vst v20;
	v20 =	vld [tilespmem:$0x1FCF0]  }
0xf2: {  	v32 =	vmin.f32 v3, v32;
	v31 =	vbroadcast v21, $0xB;
	v29 =	vbroadcast v21, $0x4  }
0xf3: {  	v27 =	vmin.f32 v3, v27;
	v15 =	vbroadcast v21, $0x5;
	v22 =	vbroadcast v21, $0x6  }
0xf4: {  	v17 =	vmin.f32 v3, v17;
	v23 =	vbroadcast v21, $0x0;
	v19 =	vbroadcast v38, $0x7  }
0xf5: {  	v60 =	vmax.f32 v2, v60;
	v47 =	vmax.f32 v2, v47;
	v39 =	vmax.f32 v2, v39  }
0xf6: {  	v34 =	vmax.f32 v2, v34;
	v31 =	vmax.f32 v2, v31;
	v20 =	vadd.f32 v20, v13  }
0xf7: {  	v29 =	vmax.f32 v2, v29;
	v15 =	vmax.f32 v2, v15;
	v22 =	vmax.f32 v2, v22  }
0xf8: {  	v23 =	vmax.f32 v2, v23;
	v19 =	vmin.f32 v3, v19;
	v44 =	vsub.f32 v44, v47;
	[tilespmem:$0x1FFC0] =	vst v20;
	v20 =	vld [tilespmem:$0x1FD00]  }
0xf9: {  	v5 =	vadd.f32 v5, v9;
	v9 =	vbroadcast v21, $0x7;
	v57 =	vbroadcast v24, $0xE  }
0xfa: {  	v39 =	vsub.f32 v40, v39;
	v61 =	vbroadcast v24, $0xF;
	v43 =	vbroadcast v24, $0x8  }
0xfb: {  	v32 =	vsub.f32 v32, v34;
	v36 =	vbroadcast v24, $0x9;
	[tilespmem:$0x1FE80] =	vst v55;
	v55 =	vbroadcast v21, $0x2;
	v21 =	vld [tilespmem:$0x1FD50]  }
0xfc: {  	v15 =	vsub.f32 v17, v15;
	v30 =	vbroadcast v24, $0xA;
	v26 =	vbroadcast v24, $0xB  }
0xfd: {  	v18 =	vbroadcast v24, $0x4;
	v16 =	vbroadcast v24, $0x5;
	v20 =	vadd.f32 v20, v13  }
0xfe: {  	v27 =	vsub.f32 v27, v31;
	v11 =	vbroadcast v24, $0x6;
	v6 =	vbroadcast v38, $0x6;
	[tilespmem:$0x1FFE0] =	vst v5  }
0xff: {  	v37 =	vbroadcast v24, $0x0;
	v15 =	vmax.f32 v15, $0.0e+00;
	v5 =	vbroadcast v24, $0x7;
	[tilespmem:$0x1FF80] =	vst v20;
	v20 =	vld [tilespmem:$0x1FD10]  }
0x100: {  	v43 =	vmin.f32 v1, v43;
	v41 =	vmax.f32 v0, v41;
	v49 =	vmin.f32 v3, v21;
	v21 =	vld [tilespmem:$0x1FD60]  }
0x101: {  	v36 =	vmin.f32 v1, v36;
	v45 =	vmax.f32 v0, v45;
	v41 =	vsub.f32 v43, v41;
	v43 =	vld [tilespmem:$0x1FE50]  }
0x102: {  	v26 =	vmin.f32 v1, v26;
	v25 =	vmax.f32 v0, v25;
	v36 =	vsub.f32 v36, v45;
	v45 =	vld [tilespmem:$0x1FE60]  }
0x103: {  	v9 =	vmax.f32 v2, v9;
	v57 =	vmin.f32 v1, v57;
	v25 =	vsub.f32 v26, v25;
	v26 =	vld [tilespmem:$0x1FE80]  }
0x104: {  	v61 =	vmin.f32 v1, v61;
	[tilespmem:$0x1FE90] =	vst v55;
	v55 =	vbroadcast v24, $0x2;
	v24 =	vld [tilespmem:$0x1FD90];
	v20 =	vadd.f32 v20, v13  }
0x105: {  	v30 =	vmin.f32 v1, v30;
	v18 =	vmin.f32 v1, v18;
	v50 =	vmax.f32 v0, v21;
	v21 =	vld [tilespmem:$0x1FD70]  }
0x106: {  	v16 =	vmin.f32 v1, v16;
	v11 =	vmin.f32 v1, v11;
	v28 =	vmax.f32 v0, v28;
	[tilespmem:$0x1FFA0] =	vst v20;
	v20 =	vld [tilespmem:$0x1FD20]  }
0x107: {  	v6 =	vmin.f32 v3, v6;
	v9 =	vsub.f32 v19, v9;
	v18 =	vsub.f32 v18, v28;
	v28 =	vld [tilespmem:$0x1FE90];
	[tilespmem:$0x1FEA0] =	vst v55  }
0x108: {  	v33 =	vmax.f32 v0, v33;
	v14 =	vmax.f32 v0, v14;
	v10 =	vmax.f32 v0, v10;
	v47 =	vld [tilespmem:$0x1FEA0]  }
0x109: {  	[tilespmem:$0x1FF40] =	vst v54;
	v7 =	vmax.f32 v0, v7;
	v55 =	vbroadcast v38, $0x2;
	v54 =	vmin.f32 v3, v24;
	v24 =	vld [tilespmem:$0x1FDA0]  }
0x10a: {  	[tilespmem:$0x1FF10] =	vst v48;
	v5 =	vmin.f32 v1, v5;
	v6 =	vsub.f32 v6, v22;
	v48 =	vmax.f32 v2, v21;
	v21 =	vld [tilespmem:$0x1FD80]  }
0x10b: {  	v30 =	vsub.f32 v30, v33;
	v14 =	vsub.f32 v16, v14;
	[tilespmem:$0x1FEB0] =	vst v55;
	v51 =	vmax.f32 v0, v20;
	v20 =	vld [tilespmem:$0x1FD30]  }
0x10c: {  	v37 =	vmin.f32 v1, v37;
	v10 =	vsub.f32 v11, v10;
	v5 =	vsub.f32 v5, v7;
	v11 =	vld [tilespmem:$0x1FEB0]  }
0x10d: {  	v59 =	vmax.f32 v0, v59;
	v56 =	vadd.f32 v63, v13;
	v63 =	vadd.f32 v42, v13;
	v42 =	vld [tilespmem:$0x1FDC0]  }
0x10e: {  	v7 =	vmax.f32 v0, v46;
	v26 =	vmax.f32 v0, v26;
	v16 =	vmin.f32 v1, v47;
	v22 =	vld [tilespmem:$0x1FEE0]  }
0x10f: {  	v43 =	vmax.f32 v2, v43;
	v16 =	vsub.f32 v16, v26;
	v35 =	vbroadcast v38, $0x4;
	v26 =	vld [tilespmem:$0x1FEF0]  }
0x110: {  	v55 =	vmax.f32 v0, v24;
	v21 =	vmin.f32 v1, v21;
	v62 =	vmax.f32 v2, v20;
	v20 =	vld [tilespmem:$0x1FD40]  }
0x111: {  	v38 =	vbroadcast v38, $0x3;
	v21 =	vsub.f32 v21, v50;
	v50 =	vsub.f32 v57, v55;
	v55 =	vld [tilespmem:$0x1FDF0]  }
0x112: {  	v40 =	vld [tilespmem:$0x1FE70];
	v45 =	vmin.f32 v1, v45;
	v28 =	vmax.f32 v2, v28;
	v11 =	vmin.f32 v3, v11  }
0x113: {  	v11 =	vsub.f32 v11, v28;
	v28 =	vmin.f32 v3, v38;
	v4 =	vmax.f32 v0, v4  }
0x114: {  	v4 =	vsub.f32 v37, v4;
	v42 =	vmin.f32 v3, v42;
	v22 =	vmax.f32 v2, v22  }
0x115: {  	v42 =	vsub.f32 v42, v60;
	v22 =	vsub.f32 v28, v22;
	v20 =	vmin.f32 v1, v20  }
0x116: {  	v26 =	vmin.f32 v1, v26;
	v20 =	vsub.f32 v20, v51;
	v51 =	vmin.f32 v3, v55;
	v55 =	vld [tilespmem:$0x1FE30]  }
0x117: {  	v33 =	vmin.f32 v3, v40;
	v7 =	vsub.f32 v26, v7;
	v48 =	vsub.f32 v54, v48  }
0x118: {  	v34 =	vmax.f32 v42, $0.0e+00;
	v42 =	vmax.f32 v4, $0.0e+00;
	v4 =	vmax.f32 v9, $0.0e+00;
	v24 =	vld [tilespmem:$0x1FDB0]  }
0x119: {  	v38 =	vmax.f32 v7, $0.0e+00;
	v7 =	vld [tilespmem:$0x1FF10];
	v28 =	vmax.f32 v48, $0.0e+00;
	v49 =	vsub.f32 v49, v62  }
0x11a: {  	v9 =	vld [tilespmem:$0x1FF20];
	v21 =	vmax.f32 v21, $0.0e+00;
	v17 =	vsub.f32 v51, v23;
	v23 =	vsub.f32 v33, v43  }
0x11b: {  	v26 =	vmax.f32 v49, $0.0e+00;
	v20 =	vmax.f32 v20, $0.0e+00;
	v55 =	vmax.f32 v0, v55  }
0x11c: {  	v19 =	vsub.f32 v45, v55;
	v45 =	vmax.f32 v23, $0.0e+00;
	v23 =	vmul.f32 v26, v20  }
0x11d: {  	v40 =	vmax.f32 v11, $0.0e+00;
	v11 =	vld [tilespmem:$0x1FF30];
	v48 =	vmax.f32 v25, $0.0e+00;
	v25 =	vmul.f32 v28, v21  }
0x11e: {  	v60 =	vld [tilespmem:$0x1FE40];
	v54 =	vsub.f32 v61, v59;
	v24 =	vmax.f32 v2, v24;
	v7 =	vsub.f32 v7, v23  }
0x11f: {  	v35 =	vmin.f32 v3, v35;
	v61 =	vld [tilespmem:$0x1FE10];
	v24 =	vsub.f32 v58, v24;
	v9 =	vsub.f32 v9, v25  }
0x120: {  	v14 =	vmax.f32 v14, $0.0e+00;
	v29 =	vsub.f32 v35, v29;
	(erf) = vrcp.f32 v7;
	v7 =	vld [tilespmem:$0x1FF40]  }
0x121: {  	v31 =	vmax.f32 v50, $0.0e+00;
	v24 =	vmax.f32 v24, $0.0e+00;
	(erf) = vrcp.f32 v9;
	v9 =	vld [tilespmem:$0x1FF50]  }
0x122: {  	v59 =	vld [tilespmem:$0x1FE20];
	v49 =	vmax.f32 v27, $0.0e+00;
	v27 =	vmul.f32 v24, v31;
	v33 =	vmax.f32 v54, $0.0e+00  }
0x123: {  	v35 =	vmax.f32 v41, $0.0e+00;
	v37 =	vmax.f32 v44, $0.0e+00;
	v57 =	vld [tilespmem:$0x1FDE0];
	v28 =	vmul.f32 v34, v33  }
0x124: {  	v58 =	vld [tilespmem:$0x1FE00];
	v50 =	vmax.f32 v29, $0.0e+00;
	v29 =	vmul.f32 v37, v35;
	v11 =	vsub.f32 v11, v27  }
0x125: {  	v52 =	vadd.f32 v52, v13;
	v35 =	vmul.f32 v15, v14;
	v15 =	vld [tilespmem:$0x1FFB0];
	v7 =	vsub.f32 v7, v28  }
0x126: {  	v32 =	vmax.f32 v32, $0.0e+00;
	(erf) = vrcp.f32 v11;
	v11 =	vld [tilespmem:$0x1FF60];
	v9 =	vsub.f32 v9, v29  }
0x127: {  	v46 =	vmax.f32 v39, $0.0e+00;
	v6 =	vmax.f32 v6, $0.0e+00;
	(erf) = vrcp.f32 v7;
	v7 =	vld [tilespmem:$0x1FF70]  }
0x128: {  	v36 =	vmax.f32 v36, $0.0e+00;
	v18 =	vmax.f32 v18, $0.0e+00;
	(erf) = vrcp.f32 v9;
	v9 =	vld [tilespmem:$0x1FF90]  }
0x129: {  	v10 =	vmax.f32 v10, $0.0e+00;
	v47 =	vmax.f32 v30, $0.0e+00;
	v30 =	vmul.f32 v46, v36;
	v14 =	vld [tilespmem:$0x1FF80]  }
0x12a: {  	p0 =	sne.s32 s21, $0x4FC0;
	v5 =	vmax.f32 v5, $0.0e+00;
	v34 =	vmul.f32 v32, v47;
	v32 =	vmul.f32 v6, v10;
	v6 =	vld [tilespmem:$0x1FFC0]  }
.Ltmp1:
0x12b: {  	v39 =	vmax.f32 v16, $0.0e+00;
	v62 =	vld [tilespmem:$0x1FDD0];
	v36 =	vmul.f32 v49, v48;
	v11 =	vsub.f32 v11, v30;
	(pc) =	sbr.rel @p0 .LBB2_4-.Ltmp1, $4  }
0x12c: {  	v41 =	vmax.f32 v22, $0.0e+00;
	v37 =	vmul.f32 v50, v18;
	v51 =	vld [tilespmem:$0x1FEC0];
	v7 =	vsub.f32 v7, v34  }
0x12d: {  	v31 =	vmul.f32 v4, v5;
	v54 =	vld [tilespmem:$0x1FF00];
	(erf) = vrcp.f32 v11;
	v9 =	vsub.f32 v9, v36  }
0x12e: {  	v33 =	vsub.f32 v15, v37;
	v44 =	vmax.f32 v17, $0.0e+00;
	v55 =	vld [tilespmem:$0x1FED0];
	(erf) = vrcp.f32 v7  }
0x12f: {  	s21 =	sadd.s32 $0x40, s21;
	v46 =	vsub.f32 v6, v35;
	v43 =	vmax.f32 v19, $0.0e+00;
	v11 =	vld [tilespmem:$0x1FFA0];
	(erf) = vrcp.f32 v9  }
0x130: {  	v0 =	vmul.f32 v44, v42;
	(erf) = vrcp.f32 v33  }
0x131: {  	v2 =	vmul.f32 v45, v43;
	v6 =	vmul.f32 v40, v39  }
0x132: {  	v9 =	vmul.f32 v41, v38;
	v15 =	vbroadcast v8, $0x6  }
0x133: {  	v16 =	vbroadcast v8, $0x7;
	v17 =	vbroadcast v8, $0x0  }
0x134: {  	v1 =	vsub.f32 v14, v32;
	v18 =	vbroadcast v8, $0x1;
	v20 =	vbroadcast v8, $0x2  }
0x135: {  	v40 =	vbroadcast v8, $0x3;
	vm2 =	vgt.f32 v61, v12;
	vm3 =	vgt.f32 v60, v12  }
0x136: {  	v4 =	vpop (erf);
	vm0 =	vgt.f32 v59, v12;
	vm1 =	vgt.f32 v58, v12;
	vm7 =	vgt.f32 v57, v12  }
0x137: {  	(erf) = vrcp.f32 v46;
	v4 =	vmul.f32 v4, v23;
	v5 =	vsub.f32 v56, v0  }
0x138: {  	(erf) = vrcp.f32 v1;
	v7 =	vsub.f32 v63, v2;
	v10 =	vsub.f32 v53, v6  }
0x139: {  	v49 =	vpop (erf);
	v53 =	vbroadcast v8, $0x4;
	v13 =	vsub.f32 v52, v9;
	v3 =	vsub.f32 v11, v31  }
0x13a: {  	v63 =	vbroadcast v8, $0x5;
	v1 =	vmul.f32 v49, v25;
	vm4 =	vgt.f32 v54, v12  }
0x13b: {  	v50 =	vpop (erf);
	vm10 =	vgt.f32 v15, v12;
	v4 =	vmul.f32 v4, v4;
	(erf) = vrcp.f32 v3  }
0x13c: {  	vm11 =	vgt.f32 v16, v12;
	v56 =	vpop (erf);
	v1 =	vmul.f32 v1, v1;
	(erf) = vrcp.f32 v5  }
0x13d: {  	vm12 =	vgt.f32 v17, v12;
	v33 =	vpop (erf);
	v3 =	vmul.f32 v50, v27;
	(erf) = vrcp.f32 v7  }
0x13e: {  	vm13 =	vgt.f32 v18, v12;
	v38 =	vpop (erf);
	v5 =	vmul.f32 v56, v28;
	(erf) = vrcp.f32 v10  }
0x13f: {  	v45 =	vld [tilespmem:$0x1FFD0];
	vm14 =	vgt.f32 v20, v12;
	v39 =	vpop (erf);
	v7 =	vmul.f32 v33, v29;
	(erf) = vrcp.f32 v13  }
0x140: {  	vm15 =	vgt.f32 v40, v12;
	v19 =	vpop (erf);
	v3 =	vmul.f32 v3, v3;
	v10 =	vmul.f32 v38, v30  }
0x141: {  	vm6 =	vgt.f32 v55, v12;
	v21 =	vpop (erf);
	v19 =	vmul.f32 v19, v36;
	v5 =	vmul.f32 v5, v5  }
0x142: {  	vm8 =	vgt.f32 v53, v12;
	v22 =	vpop (erf);
	v13 =	vmul.f32 v39, v34;
	v21 =	vmul.f32 v21, v37  }
0x143: {  	vm9 =	vgt.f32 v63, v12;
	v7 =	vmul.f32 v7, v7;
	v41 =	vpop (erf);
	v22 =	vmul.f32 v22, v35  }
0x144: {  	vm5 =	vgt.f32 v45, v12;
	v10 =	vmul.f32 v10, v10;
	v47 =	vmul.f32 v19, v19;
	v24 =	vpop (erf)  }
0x145: {  	v4 =	vnsel vm2, $0x0, v4;
	v23 =	vmul.f32 v41, v32;
	v46 =	vmul.f32 v13, v13;
	v42 =	vpop (erf)  }
0x146: {  	v1 =	vnsel vm3, $0x0, v1;
	v48 =	vmul.f32 v21, v21;
	v49 =	vmul.f32 v22, v22;
	v26 =	vpop (erf)  }
0x147: {  	v7 =	vnsel vm7, $0x0, v7;
	v50 =	vmul.f32 v23, v23;
	v0 =	vmul.f32 v42, v0;
	v43 =	vpop (erf)  }
0x148: {  	v57 =	vld [tilespmem:$0x1FFF0];
	v10 =	vnsel vm6, $0x0, v10;
	v2 =	vmul.f32 v26, v2;
	v44 =	vpop (erf);
	v6 =	vmul.f32 v43, v6  }
0x149: {  	v56 =	vld [tilespmem:$0x1FFE0];
	v54 =	vnsel vm8, $0x0, v48;
	v0 =	vmul.f32 v0, v0;
	v9 =	vmul.f32 v44, v9  }
0x14a: {  	v55 =	vnsel vm9, $0x0, v49;
	v24 =	vmul.f32 v24, v31;
	v2 =	vmul.f32 v2, v2  }
0x14b: {  	v6 =	vmul.f32 v6, v6;
	v0 =	vnsel vm12, $0x0, v0;
	v53 =	vmul.f32 v9, v9  }
0x14c: {  	v52 =	vmul.f32 v24, v24;
	v2 =	vnsel vm13, $0x0, v2;
	v0 =	vadd.f32 v0, v62  }
0x14d: {  	v6 =	vnsel vm14, $0x0, v6;
	v2 =	vadd.f32 v2, v51;
	v8 =	vnsel vm15, $0x0, v53  }
0x14e: {  	v58 =	vnsel vm10, $0x0, v50;
	v6 =	vadd.f32 v6, v56;
	v8 =	vadd.f32 v8, v57  }
0x14f: {  	v59 =	vnsel vm11, $0x0, v52;
	v0 =	vadd.f32 v0, v54;
	v2 =	vadd.f32 v2, v55  }
0x150: {  	v61 =	vnsel vm5, $0x0, v47;
	v6 =	vadd.f32 v6, v58;
	v8 =	vadd.f32 v8, v59  }
0x151: {  	v60 =	vnsel vm4, $0x0, v46;
	v0 =	vadd.f32 v0, v7;
	v2 =	vadd.f32 v2, v10  }
0x152: {  	v3 =	vnsel vm0, $0x0, v3;
	v6 =	vadd.f32 v6, v60;
	v7 =	vadd.f32 v8, v61  }
0x153: {  	v62 =	vnsel vm1, $0x0, v5;
	v0 =	vadd.f32 v0, v4;
	v1 =	vadd.f32 v2, v1  }
0x154: {  	v3 =	vadd.f32 v6, v3;
	v2 =	vadd.f32 v7, v62;
	_ =	sdelay $0x1  }
0x155: {  	v0 =	vadd.f32 v1, v0;
	v63 =	vadd.f32 v2, v3;
	_ =	sdelay $0x1  }
0x156: {  	v0 =	vadd.f32 v63, v0;
	_ =	sdelay $0x1  }
0x157: {  	v0 =	vmul.f32 $-2.000000000e+00, v0;
	_ =	sdelay $0x1  }
0x158: {  	v0 =	vmul.f32 $1.442695020e+00, v0;
	_ =	sdelay $0x1  }
0x159: {  	(erf) = vpow2.f32 v0;
	_ =	sdelay $0x8  }
0x15a: {  	v0 =	vpop (erf)  }
0x15b: {  	s20 =	sadd.s32 $0x1, s20;
	v0 =	vmul.f32 v0, v12  }
0x15c: {  	p0 =	sne.s32 s20, s10  }
.Ltmp2:
0x15d: {  	[tilespmem:$0x7800] =	vst v0;
	(pc) =	sbr.rel @p0 .LBB2_1-.Ltmp2, $4  }
0x15e: {  	[hbm4b:s9+s3] =	stream.linear.scatter [tilespmem:s18], [sflag:$0x2], $0x10, $0x38;
	[tilespmem:$0x7880] =	vst v63  }
0x15f: {  	_ =	swait.ge [sflag:s19], $0x10  }
0x160: {  	[sflag:s19] =	ssyncset.done $0x0  }
0x161: {  	[sflag:s19] =	ssyncadd.s32 $0xFFFFFFF0  }
0x162: {  	_ =	sfence.sel $0x180000  }
0x163: {  	[bflag:$0x0] =	sbarrier.arrive $0xFFFF  }
0x164: {  	p0 =	sne.s32 s1, $0x0;
	_ =	strace $0x90000047  }
0x165: {  	s0 =	sadd.s32 @!p0 $0x100000, s0;
	[bflag:$0x2] =	sbarrier.arrive $0xFFFF  }
0x166: {  	[sflag:s0] =	ssyncadd.tile.s32 @!p0 $0x1;
	_ =	shalt  }
.Lfunc_end2:
_tile_overlayer_lowered:
.L_overlay_start_2:
0x167: {  	(tag) =	ssettag $0x2  }
0x168: {  	s0 =	rddreg [dreg:$0x0];
	s2 =	stileid.u32  }
0x169: {  	s1 =	rddreg [dreg:$0x1];
	p0 =	sne.s32 s2, $0x0  }
0x16a: {  	s3 =	rddreg [dreg:$0x2];
	[bflag:$0x3] =	sbarrier.arrive $0xFFFF;
	s2 =	simm.s32 @!p0 $0x1C02  }
0x16b: {  	[timem:s3], [sflag:s2] =	dma.local @!p0 [hbm:s0], s1  }
0x16c: {  	s0 =	simm.s32 @!p0 $0x2  }
0x16d: {  	_ =	swait.ge @!p0 [sflag:s0], s1  }
0x16e: {  	s1 =	ssub.s32 @!p0 $0x0, s1;
	[sflag:s0] =	ssyncset.done @!p0 $0x0  }
0x16f: {  	[sflag:s0] =	ssyncadd.s32 @!p0 s1  }
0x170: {  	[bflag:$0x3] =	sbarrier.arrive $0xFFFF  }
0x171: {  	_ =	shalt  }

</sc_bundles>
